<compile_context>
chip_gen: v7x
topology: tpu7x:2x2x1
jax: 0.10.2.dev20260603
libtpu: 0.0.44.dev20260713+nightly
codegen_flags: <defaults>
</compile_context>

<pallas_src>
import functools

import jax
import jax.numpy as jnp
from jax import lax
from jax.experimental import pallas as pl
from jax.experimental.pallas import tpu as pltpu
from jax.experimental.pallas import tpu_sc as plsc

_D = 128
_B = 16384 * 20
_NC = 2
_NS = 16
_NW = _NC * _NS
_BPW = _B // _NW
_CHUNK = 64
_NCHUNK = _BPW // _CHUNK
_NSLOT = 10
_NGROUP = _NCHUNK // _NSLOT


def _sc_gather(x3, W):
    mesh = plsc.VectorSubcoreMesh(core_axis_name="c", subcore_axis_name="s")

    @functools.partial(
        pl.kernel,
        out_type=jax.ShapeDtypeStruct((_B, _D), jnp.float32),
        mesh=mesh,
        scratch_types=[
            pltpu.VMEM((_NCHUNK, _CHUNK), jnp.int32),
            *[pltpu.VMEM((_CHUNK, _D), jnp.float32) for _ in range(_NSLOT)],
            *[pltpu.SemaphoreType.DMA for _ in range(_NSLOT)],
            *[pltpu.SemaphoreType.DMA for _ in range(_NSLOT)],
        ],
    )
    def body(x_hbm, w_hbm, out_hbm, idx_v, *rest):
        bufs = rest[:_NSLOT]
        g_sems = rest[_NSLOT:2 * _NSLOT]
        w_sems = rest[2 * _NSLOT:]
        wid = lax.axis_index("s") * _NC + lax.axis_index("c")
        base = wid * _BPW

        pltpu.sync_copy(x_hbm.at[wid], idx_v)

        def start_gather(g, slot):
            pltpu.async_copy(w_hbm.at[idx_v.at[g]], bufs[slot], g_sems[slot])

        def wait_gather(g, slot):
            pltpu.make_async_copy(
                w_hbm.at[idx_v.at[g]], bufs[slot], g_sems[slot]).wait()

        def start_write(g, slot):
            pltpu.async_copy(
                bufs[slot], out_hbm.at[pl.ds(base + g * _CHUNK, _CHUNK)],
                w_sems[slot])

        def wait_write(g, slot):
            pltpu.make_async_copy(
                bufs[slot], out_hbm.at[pl.ds(base + g * _CHUNK, _CHUNK)],
                w_sems[slot]).wait()

        _LAG = 4

        for b in range(_NSLOT):
            start_gather(b, b)

        for b in range(_NSLOT):
            wait_gather(b, b)
            start_write(b, b)
            if b >= _LAG:
                h = b + _NSLOT - _LAG
                wait_write(h - _NSLOT, h % _NSLOT)
                start_gather(h, h % _NSLOT)

        def group(i, _):
            for b in range(_NSLOT):
                g = _NSLOT * i + b
                hb = (b + _NSLOT - _LAG) % _NSLOT
                wait_gather(g, b)
                start_write(g, b)
                h = g + _NSLOT - _LAG
                wait_write(h - _NSLOT, hb)
                start_gather(h, hb)
            return 0

        lax.fori_loop(1, _NGROUP - 1, group, 0, unroll=False)

        for b in range(_NSLOT):
            g = _NSLOT * (_NGROUP - 1) + b
            wait_gather(g, b)
            start_write(g, b)
            if b < _LAG:
                h = g + _NSLOT - _LAG
                hb = (b + _NSLOT - _LAG) % _NSLOT
                wait_write(h - _NSLOT, hb)
                start_gather(h, hb)
        for b in range(_NSLOT):
            g = _NSLOT * (_NGROUP - 1) + b
            wait_write(g, b)

    return body(x3, W)


def kernel(x, W):
    x3 = x.reshape(_NW, _NCHUNK, _CHUNK).astype(jnp.int32)
    out = _sc_gather(x3, W)
    return out.reshape(x.shape[0], x.shape[1], _D)

# --- scband reference (transcript-rebuilt; emitter-appended) ---
"""Pipeline reference for scband-fixed-embedding-15272903704957 (READ-ONLY COPY).

The authoritative reference and input builder live on the scoring server;
editing this copy changes nothing except your own understanding.
"""

import math
import jax, jax.numpy as jnp
import numpy as np

C_IN = 100000
D_MODEL = 128

def _build_table():
    position = jnp.arange(0, C_IN, dtype=jnp.float32)[:, None]
    div_term = jnp.exp(jnp.arange(0, D_MODEL, 2, dtype=jnp.float32) * -(math.log(10000.0) / D_MODEL))
    w = jnp.zeros((C_IN, D_MODEL), dtype=jnp.float32)
    w = w.at[:, 0::2].set(jnp.sin(position * div_term))
    w = w.at[:, 1::2].set(jnp.cos(position * div_term))
    return w

def setup_inputs(seed: int = 0) -> dict:
    key = jax.random.key(seed)
    x = jax.random.randint(key, (16384, 20), 0, C_IN, dtype=jnp.int64)
    W = _build_table()
    return {"x": x, "W": W}

def reference(x, W):
    # Embedding lookup: gather rows of the fixed sinusoidal table.
    return jnp.take(W, x, axis=0)

if __name__ == "__main__":
    import jax
    _d = setup_inputs()
    print(jax.jit(kernel)(*tuple(_d.values())))

</pallas_src>

<mosaic_0001>
#map = affine_map<(d0, d1) -> (0, 0, 0)>
#map1 = affine_map<(d0, d1) -> (0, 0)>
module attributes {stable_mosaic.version = 14 : i64} {
  func.func @body(%arg0: i32, %arg1: i32, %arg2: memref<32x160x64xi32, #tpu.memory_space<hbm>>, %arg3: memref<100000x128xf32, #tpu.memory_space<hbm>>, %arg4: memref<327680x128xf32, #tpu.memory_space<hbm>>, %arg5: memref<160x64xi32, #tpu.memory_space<vmem>>, %arg6: memref<64x128xf32, #tpu.memory_space<vmem>>, %arg7: memref<64x128xf32, #tpu.memory_space<vmem>>, %arg8: memref<64x128xf32, #tpu.memory_space<vmem>>, %arg9: memref<64x128xf32, #tpu.memory_space<vmem>>, %arg10: memref<64x128xf32, #tpu.memory_space<vmem>>, %arg11: memref<64x128xf32, #tpu.memory_space<vmem>>, %arg12: memref<64x128xf32, #tpu.memory_space<vmem>>, %arg13: memref<64x128xf32, #tpu.memory_space<vmem>>, %arg14: memref<64x128xf32, #tpu.memory_space<vmem>>, %arg15: memref<64x128xf32, #tpu.memory_space<vmem>>, %arg16: memref<!tpu.dma_semaphore, #tpu.memory_space<semaphore_mem>>, %arg17: memref<!tpu.dma_semaphore, #tpu.memory_space<semaphore_mem>>, %arg18: memref<!tpu.dma_semaphore, #tpu.memory_space<semaphore_mem>>, %arg19: memref<!tpu.dma_semaphore, #tpu.memory_space<semaphore_mem>>, %arg20: memref<!tpu.dma_semaphore, #tpu.memory_space<semaphore_mem>>, %arg21: memref<!tpu.dma_semaphore, #tpu.memory_space<semaphore_mem>>, %arg22: memref<!tpu.dma_semaphore, #tpu.memory_space<semaphore_mem>>, %arg23: memref<!tpu.dma_semaphore, #tpu.memory_space<semaphore_mem>>, %arg24: memref<!tpu.dma_semaphore, #tpu.memory_space<semaphore_mem>>, %arg25: memref<!tpu.dma_semaphore, #tpu.memory_space<semaphore_mem>>, %arg26: memref<!tpu.dma_semaphore, #tpu.memory_space<semaphore_mem>>, %arg27: memref<!tpu.dma_semaphore, #tpu.memory_space<semaphore_mem>>, %arg28: memref<!tpu.dma_semaphore, #tpu.memory_space<semaphore_mem>>, %arg29: memref<!tpu.dma_semaphore, #tpu.memory_space<semaphore_mem>>, %arg30: memref<!tpu.dma_semaphore, #tpu.memory_space<semaphore_mem>>, %arg31: memref<!tpu.dma_semaphore, #tpu.memory_space<semaphore_mem>>, %arg32: memref<!tpu.dma_semaphore, #tpu.memory_space<semaphore_mem>>, %arg33: memref<!tpu.dma_semaphore, #tpu.memory_space<semaphore_mem>>, %arg34: memref<!tpu.dma_semaphore, #tpu.memory_space<semaphore_mem>>, %arg35: memref<!tpu.dma_semaphore, #tpu.memory_space<semaphore_mem>>) attributes {dimension_semantics = [#tpu.dimension_semantics<core_parallel>, #tpu.dimension_semantics<subcore_parallel>], iteration_bounds = array<i64: 2, 16>, scalar_prefetch = 0 : i64, scratch_operands = 31 : i64, tpu.core_type = #tpu.core_type<sc_vector_subcore>, window_params = [{transform_indices = #map}, {transform_indices = #map1}, {transform_indices = #map1}]} {
    %mul3A = arith.constant 2 : i32
    %mul3A_0 = arith.muli %arg1, %mul3A : i32
    %add3A = arith.addi %mul3A_0, %arg0 : i32
    %mul3A_1 = arith.constant 10240 : i32
    %mul3A_2 = arith.muli %add3A, %mul3A_1 : i32
    "tpu.region"() ({
      %run_scoped3A = tpu.sem_alloc : memref<!tpu.dma_semaphore, #tpu.memory_space<semaphore_mem>>
      %dma_start3A_527 = arith.constant 0 : i32
      %dma_start3A_528 = arith.constant 0 : i32
      %dma_start3A_529 = tpu.memref_slice %arg2[%add3A, %dma_start3A_527, %dma_start3A_528] : memref<32x160x64xi32, #tpu.memory_space<hbm>> -> memref<1x160x64xi32, #tpu.memory_space<hbm>>
      %dma_start3A_530 = tpu.memref_squeeze %dma_start3A_529 : memref<1x160x64xi32, #tpu.memory_space<hbm>> -> memref<160x64xi32, #tpu.memory_space<hbm>>
      %dma_start3A_531 = arith.constant 0 : i32
      %dma_start3A_532 = arith.constant 0 : i32
      %dma_start3A_533 = tpu.memref_slice %arg2[%add3A, %dma_start3A_531, %dma_start3A_532] : memref<32x160x64xi32, #tpu.memory_space<hbm>> -> memref<1x160x64xi32, #tpu.memory_space<hbm>>
      %dma_start3A_534 = tpu.memref_squeeze %dma_start3A_533 : memref<1x160x64xi32, #tpu.memory_space<hbm>> -> memref<160x64xi32, #tpu.memory_space<hbm>>
      tpu.enqueue_dma source(%dma_start3A_534 : memref<160x64xi32, #tpu.memory_space<hbm>>) target(%arg5 : memref<160x64xi32, #tpu.memory_space<vmem>>) target_semaphore(%run_scoped3A : memref<!tpu.dma_semaphore, #tpu.memory_space<semaphore_mem>>)
      %dma_wait3A_535 = arith.constant 0 : i32
      %dma_wait3A_536 = arith.constant 0 : i32
      %dma_wait3A_537 = tpu.memref_slice %arg2[%add3A, %dma_wait3A_535, %dma_wait3A_536] : memref<32x160x64xi32, #tpu.memory_space<hbm>> -> memref<1x160x64xi32, #tpu.memory_space<hbm>>
      %dma_wait3A_538 = tpu.memref_squeeze %dma_wait3A_537 : memref<1x160x64xi32, #tpu.memory_space<hbm>> -> memref<160x64xi32, #tpu.memory_space<hbm>>
      %dma_wait3A_539 = arith.constant 0 : i32
      %dma_wait3A_540 = arith.constant 0 : i32
      %dma_wait3A_541 = tpu.memref_slice %arg2[%add3A, %dma_wait3A_539, %dma_wait3A_540] : memref<32x160x64xi32, #tpu.memory_space<hbm>> -> memref<1x160x64xi32, #tpu.memory_space<hbm>>
      %dma_wait3A_542 = tpu.memref_squeeze %dma_wait3A_541 : memref<1x160x64xi32, #tpu.memory_space<hbm>> -> memref<160x64xi32, #tpu.memory_space<hbm>>
      tpu.wait_dma2 semaphore(%run_scoped3A : memref<!tpu.dma_semaphore, #tpu.memory_space<semaphore_mem>>) src(%dma_wait3A_542 : memref<160x64xi32, #tpu.memory_space<hbm>>) dst(%arg5 : memref<160x64xi32, #tpu.memory_space<vmem>>)
      tpu.yield
    }) : () -> ()
    %dma_start3A = arith.constant 0 : i32
    %dma_start3A_3 = arith.constant 0 : i32
    %dma_start3A_4 = tpu.memref_slice %arg5[%dma_start3A, %dma_start3A_3] : memref<160x64xi32, #tpu.memory_space<vmem>> -> memref<1x64xi32, #tpu.memory_space<vmem>>
    %dma_start3A_5 = tpu.memref_squeeze %dma_start3A_4 : memref<1x64xi32, #tpu.memory_space<vmem>> -> memref<64xi32, #tpu.memory_space<vmem>>
    %dma_start3A_6 = arith.constant 0 : i32
    %dma_start3A_7 = arith.constant 0 : i32
    %dma_start3A_8 = tpu.memref_slice %arg3[%dma_start3A_6, %dma_start3A_7] : memref<100000x128xf32, #tpu.memory_space<hbm>> -> memref<100000x128xf32, #tpu.memory_space<hbm>>
    tpu.enqueue_indirect_dma source(%dma_start3A_8 : memref<100000x128xf32, #tpu.memory_space<hbm>>) target(%arg6 : memref<64x128xf32, #tpu.memory_space<vmem>>) offsets(%dma_start3A_5 : memref<64xi32, #tpu.memory_space<vmem>>) semaphore(%arg16 : memref<!tpu.dma_semaphore, #tpu.memory_space<semaphore_mem>>)
    %dma_start3A_9 = arith.constant 1 : i32
    %dma_start3A_10 = arith.constant 0 : i32
    %dma_start3A_11 = tpu.memref_slice %arg5[%dma_start3A_9, %dma_start3A_10] : memref<160x64xi32, #tpu.memory_space<vmem>> -> memref<1x64xi32, #tpu.memory_space<vmem>>
    %dma_start3A_12 = tpu.memref_squeeze %dma_start3A_11 : memref<1x64xi32, #tpu.memory_space<vmem>> -> memref<64xi32, #tpu.memory_space<vmem>>
    %dma_start3A_13 = arith.constant 0 : i32
    %dma_start3A_14 = arith.constant 0 : i32
    %dma_start3A_15 = tpu.memref_slice %arg3[%dma_start3A_13, %dma_start3A_14] : memref<100000x128xf32, #tpu.memory_space<hbm>> -> memref<100000x128xf32, #tpu.memory_space<hbm>>
    tpu.enqueue_indirect_dma source(%dma_start3A_15 : memref<100000x128xf32, #tpu.memory_space<hbm>>) target(%arg7 : memref<64x128xf32, #tpu.memory_space<vmem>>) offsets(%dma_start3A_12 : memref<64xi32, #tpu.memory_space<vmem>>) semaphore(%arg17 : memref<!tpu.dma_semaphore, #tpu.memory_space<semaphore_mem>>)
    %dma_start3A_16 = arith.constant 2 : i32
    %dma_start3A_17 = arith.constant 0 : i32
    %dma_start3A_18 = tpu.memref_slice %arg5[%dma_start3A_16, %dma_start3A_17] : memref<160x64xi32, #tpu.memory_space<vmem>> -> memref<1x64xi32, #tpu.memory_space<vmem>>
    %dma_start3A_19 = tpu.memref_squeeze %dma_start3A_18 : memref<1x64xi32, #tpu.memory_space<vmem>> -> memref<64xi32, #tpu.memory_space<vmem>>
    %dma_start3A_20 = arith.constant 0 : i32
    %dma_start3A_21 = arith.constant 0 : i32
    %dma_start3A_22 = tpu.memref_slice %arg3[%dma_start3A_20, %dma_start3A_21] : memref<100000x128xf32, #tpu.memory_space<hbm>> -> memref<100000x128xf32, #tpu.memory_space<hbm>>
    tpu.enqueue_indirect_dma source(%dma_start3A_22 : memref<100000x128xf32, #tpu.memory_space<hbm>>) target(%arg8 : memref<64x128xf32, #tpu.memory_space<vmem>>) offsets(%dma_start3A_19 : memref<64xi32, #tpu.memory_space<vmem>>) semaphore(%arg18 : memref<!tpu.dma_semaphore, #tpu.memory_space<semaphore_mem>>)
    %dma_start3A_23 = arith.constant 3 : i32
    %dma_start3A_24 = arith.constant 0 : i32
    %dma_start3A_25 = tpu.memref_slice %arg5[%dma_start3A_23, %dma_start3A_24] : memref<160x64xi32, #tpu.memory_space<vmem>> -> memref<1x64xi32, #tpu.memory_space<vmem>>
    %dma_start3A_26 = tpu.memref_squeeze %dma_start3A_25 : memref<1x64xi32, #tpu.memory_space<vmem>> -> memref<64xi32, #tpu.memory_space<vmem>>
    %dma_start3A_27 = arith.constant 0 : i32
    %dma_start3A_28 = arith.constant 0 : i32
    %dma_start3A_29 = tpu.memref_slice %arg3[%dma_start3A_27, %dma_start3A_28] : memref<100000x128xf32, #tpu.memory_space<hbm>> -> memref<100000x128xf32, #tpu.memory_space<hbm>>
    tpu.enqueue_indirect_dma source(%dma_start3A_29 : memref<100000x128xf32, #tpu.memory_space<hbm>>) target(%arg9 : memref<64x128xf32, #tpu.memory_space<vmem>>) offsets(%dma_start3A_26 : memref<64xi32, #tpu.memory_space<vmem>>) semaphore(%arg19 : memref<!tpu.dma_semaphore, #tpu.memory_space<semaphore_mem>>)
    %dma_start3A_30 = arith.constant 4 : i32
    %dma_start3A_31 = arith.constant 0 : i32
    %dma_start3A_32 = tpu.memref_slice %arg5[%dma_start3A_30, %dma_start3A_31] : memref<160x64xi32, #tpu.memory_space<vmem>> -> memref<1x64xi32, #tpu.memory_space<vmem>>
    %dma_start3A_33 = tpu.memref_squeeze %dma_start3A_32 : memref<1x64xi32, #tpu.memory_space<vmem>> -> memref<64xi32, #tpu.memory_space<vmem>>
    %dma_start3A_34 = arith.constant 0 : i32
    %dma_start3A_35 = arith.constant 0 : i32
    %dma_start3A_36 = tpu.memref_slice %arg3[%dma_start3A_34, %dma_start3A_35] : memref<100000x128xf32, #tpu.memory_space<hbm>> -> memref<100000x128xf32, #tpu.memory_space<hbm>>
    tpu.enqueue_indirect_dma source(%dma_start3A_36 : memref<100000x128xf32, #tpu.memory_space<hbm>>) target(%arg10 : memref<64x128xf32, #tpu.memory_space<vmem>>) offsets(%dma_start3A_33 : memref<64xi32, #tpu.memory_space<vmem>>) semaphore(%arg20 : memref<!tpu.dma_semaphore, #tpu.memory_space<semaphore_mem>>)
    %dma_start3A_37 = arith.constant 5 : i32
    %dma_start3A_38 = arith.constant 0 : i32
    %dma_start3A_39 = tpu.memref_slice %arg5[%dma_start3A_37, %dma_start3A_38] : memref<160x64xi32, #tpu.memory_space<vmem>> -> memref<1x64xi32, #tpu.memory_space<vmem>>
    %dma_start3A_40 = tpu.memref_squeeze %dma_start3A_39 : memref<1x64xi32, #tpu.memory_space<vmem>> -> memref<64xi32, #tpu.memory_space<vmem>>
    %dma_start3A_41 = arith.constant 0 : i32
    %dma_start3A_42 = arith.constant 0 : i32
    %dma_start3A_43 = tpu.memref_slice %arg3[%dma_start3A_41, %dma_start3A_42] : memref<100000x128xf32, #tpu.memory_space<hbm>> -> memref<100000x128xf32, #tpu.memory_space<hbm>>
    tpu.enqueue_indirect_dma source(%dma_start3A_43 : memref<100000x128xf32, #tpu.memory_space<hbm>>) target(%arg11 : memref<64x128xf32, #tpu.memory_space<vmem>>) offsets(%dma_start3A_40 : memref<64xi32, #tpu.memory_space<vmem>>) semaphore(%arg21 : memref<!tpu.dma_semaphore, #tpu.memory_space<semaphore_mem>>)
    %dma_start3A_44 = arith.constant 6 : i32
    %dma_start3A_45 = arith.constant 0 : i32
    %dma_start3A_46 = tpu.memref_slice %arg5[%dma_start3A_44, %dma_start3A_45] : memref<160x64xi32, #tpu.memory_space<vmem>> -> memref<1x64xi32, #tpu.memory_space<vmem>>
    %dma_start3A_47 = tpu.memref_squeeze %dma_start3A_46 : memref<1x64xi32, #tpu.memory_space<vmem>> -> memref<64xi32, #tpu.memory_space<vmem>>
    %dma_start3A_48 = arith.constant 0 : i32
    %dma_start3A_49 = arith.constant 0 : i32
    %dma_start3A_50 = tpu.memref_slice %arg3[%dma_start3A_48, %dma_start3A_49] : memref<100000x128xf32, #tpu.memory_space<hbm>> -> memref<100000x128xf32, #tpu.memory_space<hbm>>
    tpu.enqueue_indirect_dma source(%dma_start3A_50 : memref<100000x128xf32, #tpu.memory_space<hbm>>) target(%arg12 : memref<64x128xf32, #tpu.memory_space<vmem>>) offsets(%dma_start3A_47 : memref<64xi32, #tpu.memory_space<vmem>>) semaphore(%arg22 : memref<!tpu.dma_semaphore, #tpu.memory_space<semaphore_mem>>)
    %dma_start3A_51 = arith.constant 7 : i32
    %dma_start3A_52 = arith.constant 0 : i32
    %dma_start3A_53 = tpu.memref_slice %arg5[%dma_start3A_51, %dma_start3A_52] : memref<160x64xi32, #tpu.memory_space<vmem>> -> memref<1x64xi32, #tpu.memory_space<vmem>>
    %dma_start3A_54 = tpu.memref_squeeze %dma_start3A_53 : memref<1x64xi32, #tpu.memory_space<vmem>> -> memref<64xi32, #tpu.memory_space<vmem>>
    %dma_start3A_55 = arith.constant 0 : i32
    %dma_start3A_56 = arith.constant 0 : i32
    %dma_start3A_57 = tpu.memref_slice %arg3[%dma_start3A_55, %dma_start3A_56] : memref<100000x128xf32, #tpu.memory_space<hbm>> -> memref<100000x128xf32, #tpu.memory_space<hbm>>
    tpu.enqueue_indirect_dma source(%dma_start3A_57 : memref<100000x128xf32, #tpu.memory_space<hbm>>) target(%arg13 : memref<64x128xf32, #tpu.memory_space<vmem>>) offsets(%dma_start3A_54 : memref<64xi32, #tpu.memory_space<vmem>>) semaphore(%arg23 : memref<!tpu.dma_semaphore, #tpu.memory_space<semaphore_mem>>)
    %dma_start3A_58 = arith.constant 8 : i32
    %dma_start3A_59 = arith.constant 0 : i32
    %dma_start3A_60 = tpu.memref_slice %arg5[%dma_start3A_58, %dma_start3A_59] : memref<160x64xi32, #tpu.memory_space<vmem>> -> memref<1x64xi32, #tpu.memory_space<vmem>>
    %dma_start3A_61 = tpu.memref_squeeze %dma_start3A_60 : memref<1x64xi32, #tpu.memory_space<vmem>> -> memref<64xi32, #tpu.memory_space<vmem>>
    %dma_start3A_62 = arith.constant 0 : i32
    %dma_start3A_63 = arith.constant 0 : i32
    %dma_start3A_64 = tpu.memref_slice %arg3[%dma_start3A_62, %dma_start3A_63] : memref<100000x128xf32, #tpu.memory_space<hbm>> -> memref<100000x128xf32, #tpu.memory_space<hbm>>
    tpu.enqueue_indirect_dma source(%dma_start3A_64 : memref<100000x128xf32, #tpu.memory_space<hbm>>) target(%arg14 : memref<64x128xf32, #tpu.memory_space<vmem>>) offsets(%dma_start3A_61 : memref<64xi32, #tpu.memory_space<vmem>>) semaphore(%arg24 : memref<!tpu.dma_semaphore, #tpu.memory_space<semaphore_mem>>)
    %dma_start3A_65 = arith.constant 9 : i32
    %dma_start3A_66 = arith.constant 0 : i32
    %dma_start3A_67 = tpu.memref_slice %arg5[%dma_start3A_65, %dma_start3A_66] : memref<160x64xi32, #tpu.memory_space<vmem>> -> memref<1x64xi32, #tpu.memory_space<vmem>>
    %dma_start3A_68 = tpu.memref_squeeze %dma_start3A_67 : memref<1x64xi32, #tpu.memory_space<vmem>> -> memref<64xi32, #tpu.memory_space<vmem>>
    %dma_start3A_69 = arith.constant 0 : i32
    %dma_start3A_70 = arith.constant 0 : i32
    %dma_start3A_71 = tpu.memref_slice %arg3[%dma_start3A_69, %dma_start3A_70] : memref<100000x128xf32, #tpu.memory_space<hbm>> -> memref<100000x128xf32, #tpu.memory_space<hbm>>
    tpu.enqueue_indirect_dma source(%dma_start3A_71 : memref<100000x128xf32, #tpu.memory_space<hbm>>) target(%arg15 : memref<64x128xf32, #tpu.memory_space<vmem>>) offsets(%dma_start3A_68 : memref<64xi32, #tpu.memory_space<vmem>>) semaphore(%arg25 : memref<!tpu.dma_semaphore, #tpu.memory_space<semaphore_mem>>)
    %dma_wait3A = arith.constant 0 : i32
    %dma_wait3A_72 = arith.constant 0 : i32
    %dma_wait3A_73 = tpu.memref_slice %arg5[%dma_wait3A, %dma_wait3A_72] : memref<160x64xi32, #tpu.memory_space<vmem>> -> memref<1x64xi32, #tpu.memory_space<vmem>>
    %dma_wait3A_74 = tpu.memref_squeeze %dma_wait3A_73 : memref<1x64xi32, #tpu.memory_space<vmem>> -> memref<64xi32, #tpu.memory_space<vmem>>
    %dma_wait3A_75 = arith.constant 0 : i32
    %dma_wait3A_76 = arith.constant 0 : i32
    %dma_wait3A_77 = tpu.memref_slice %arg3[%dma_wait3A_75, %dma_wait3A_76] : memref<100000x128xf32, #tpu.memory_space<hbm>> -> memref<100000x128xf32, #tpu.memory_space<hbm>>
    tpu.wait_indirect_dma semaphore(%arg16 : memref<!tpu.dma_semaphore, #tpu.memory_space<semaphore_mem>>) src(%dma_wait3A_77 : memref<100000x128xf32, #tpu.memory_space<hbm>>) dst(%arg6 : memref<64x128xf32, #tpu.memory_space<vmem>>)
    %add3A_78 = arith.constant 0 : i32
    %add3A_79 = arith.addi %mul3A_2, %add3A_78 : i32
    %dma_start3A_80 = arith.constant 0 : i32
    %dma_start3A_81 = tpu.memref_slice %arg4[%add3A_79, %dma_start3A_80] : memref<327680x128xf32, #tpu.memory_space<hbm>> -> memref<64x128xf32, #tpu.memory_space<hbm>>
    %dma_start3A_82 = arith.constant 0 : i32
    %dma_start3A_83 = tpu.memref_slice %arg4[%add3A_79, %dma_start3A_82] : memref<327680x128xf32, #tpu.memory_space<hbm>> -> memref<64x128xf32, #tpu.memory_space<hbm>>
    tpu.enqueue_dma source(%arg6 : memref<64x128xf32, #tpu.memory_space<vmem>>) target(%dma_start3A_83 : memref<64x128xf32, #tpu.memory_space<hbm>>) target_semaphore(%arg26 : memref<!tpu.dma_semaphore, #tpu.memory_space<semaphore_mem>>)
    %dma_wait3A_84 = arith.constant 1 : i32
    %dma_wait3A_85 = arith.constant 0 : i32
    %dma_wait3A_86 = tpu.memref_slice %arg5[%dma_wait3A_84, %dma_wait3A_85] : memref<160x64xi32, #tpu.memory_space<vmem>> -> memref<1x64xi32, #tpu.memory_space<vmem>>
    %dma_wait3A_87 = tpu.memref_squeeze %dma_wait3A_86 : memref<1x64xi32, #tpu.memory_space<vmem>> -> memref<64xi32, #tpu.memory_space<vmem>>
    %dma_wait3A_88 = arith.constant 0 : i32
    %dma_wait3A_89 = arith.constant 0 : i32
    %dma_wait3A_90 = tpu.memref_slice %arg3[%dma_wait3A_88, %dma_wait3A_89] : memref<100000x128xf32, #tpu.memory_space<hbm>> -> memref<100000x128xf32, #tpu.memory_space<hbm>>
    tpu.wait_indirect_dma semaphore(%arg17 : memref<!tpu.dma_semaphore, #tpu.memory_space<semaphore_mem>>) src(%dma_wait3A_90 : memref<100000x128xf32, #tpu.memory_space<hbm>>) dst(%arg7 : memref<64x128xf32, #tpu.memory_space<vmem>>)
    %add3A_91 = arith.constant 64 : i32
    %add3A_92 = arith.addi %mul3A_2, %add3A_91 : i32
    %dma_start3A_93 = arith.constant 0 : i32
    %dma_start3A_94 = tpu.memref_slice %arg4[%add3A_92, %dma_start3A_93] : memref<327680x128xf32, #tpu.memory_space<hbm>> -> memref<64x128xf32, #tpu.memory_space<hbm>>
    %dma_start3A_95 = arith.constant 0 : i32
    %dma_start3A_96 = tpu.memref_slice %arg4[%add3A_92, %dma_start3A_95] : memref<327680x128xf32, #tpu.memory_space<hbm>> -> memref<64x128xf32, #tpu.memory_space<hbm>>
    tpu.enqueue_dma source(%arg7 : memref<64x128xf32, #tpu.memory_space<vmem>>) target(%dma_start3A_96 : memref<64x128xf32, #tpu.memory_space<hbm>>) target_semaphore(%arg27 : memref<!tpu.dma_semaphore, #tpu.memory_space<semaphore_mem>>)
    %dma_wait3A_97 = arith.constant 2 : i32
    %dma_wait3A_98 = arith.constant 0 : i32
    %dma_wait3A_99 = tpu.memref_slice %arg5[%dma_wait3A_97, %dma_wait3A_98] : memref<160x64xi32, #tpu.memory_space<vmem>> -> memref<1x64xi32, #tpu.memory_space<vmem>>
    %dma_wait3A_100 = tpu.memref_squeeze %dma_wait3A_99 : memref<1x64xi32, #tpu.memory_space<vmem>> -> memref<64xi32, #tpu.memory_space<vmem>>
    %dma_wait3A_101 = arith.constant 0 : i32
    %dma_wait3A_102 = arith.constant 0 : i32
    %dma_wait3A_103 = tpu.memref_slice %arg3[%dma_wait3A_101, %dma_wait3A_102] : memref<100000x128xf32, #tpu.memory_space<hbm>> -> memref<100000x128xf32, #tpu.memory_space<hbm>>
    tpu.wait_indirect_dma semaphore(%arg18 : memref<!tpu.dma_semaphore, #tpu.memory_space<semaphore_mem>>) src(%dma_wait3A_103 : memref<100000x128xf32, #tpu.memory_space<hbm>>) dst(%arg8 : memref<64x128xf32, #tpu.memory_space<vmem>>)
    %add3A_104 = arith.constant 128 : i32
    %add3A_105 = arith.addi %mul3A_2, %add3A_104 : i32
    %dma_start3A_106 = arith.constant 0 : i32
    %dma_start3A_107 = tpu.memref_slice %arg4[%add3A_105, %dma_start3A_106] : memref<327680x128xf32, #tpu.memory_space<hbm>> -> memref<64x128xf32, #tpu.memory_space<hbm>>
    %dma_start3A_108 = arith.constant 0 : i32
    %dma_start3A_109 = tpu.memref_slice %arg4[%add3A_105, %dma_start3A_108] : memref<327680x128xf32, #tpu.memory_space<hbm>> -> memref<64x128xf32, #tpu.memory_space<hbm>>
    tpu.enqueue_dma source(%arg8 : memref<64x128xf32, #tpu.memory_space<vmem>>) target(%dma_start3A_109 : memref<64x128xf32, #tpu.memory_space<hbm>>) target_semaphore(%arg28 : memref<!tpu.dma_semaphore, #tpu.memory_space<semaphore_mem>>)
    %dma_wait3A_110 = arith.constant 3 : i32
    %dma_wait3A_111 = arith.constant 0 : i32
    %dma_wait3A_112 = tpu.memref_slice %arg5[%dma_wait3A_110, %dma_wait3A_111] : memref<160x64xi32, #tpu.memory_space<vmem>> -> memref<1x64xi32, #tpu.memory_space<vmem>>
    %dma_wait3A_113 = tpu.memref_squeeze %dma_wait3A_112 : memref<1x64xi32, #tpu.memory_space<vmem>> -> memref<64xi32, #tpu.memory_space<vmem>>
    %dma_wait3A_114 = arith.constant 0 : i32
    %dma_wait3A_115 = arith.constant 0 : i32
    %dma_wait3A_116 = tpu.memref_slice %arg3[%dma_wait3A_114, %dma_wait3A_115] : memref<100000x128xf32, #tpu.memory_space<hbm>> -> memref<100000x128xf32, #tpu.memory_space<hbm>>
    tpu.wait_indirect_dma semaphore(%arg19 : memref<!tpu.dma_semaphore, #tpu.memory_space<semaphore_mem>>) src(%dma_wait3A_116 : memref<100000x128xf32, #tpu.memory_space<hbm>>) dst(%arg9 : memref<64x128xf32, #tpu.memory_space<vmem>>)
    %add3A_117 = arith.constant 192 : i32
    %add3A_118 = arith.addi %mul3A_2, %add3A_117 : i32
    %dma_start3A_119 = arith.constant 0 : i32
    %dma_start3A_120 = tpu.memref_slice %arg4[%add3A_118, %dma_start3A_119] : memref<327680x128xf32, #tpu.memory_space<hbm>> -> memref<64x128xf32, #tpu.memory_space<hbm>>
    %dma_start3A_121 = arith.constant 0 : i32
    %dma_start3A_122 = tpu.memref_slice %arg4[%add3A_118, %dma_start3A_121] : memref<327680x128xf32, #tpu.memory_space<hbm>> -> memref<64x128xf32, #tpu.memory_space<hbm>>
    tpu.enqueue_dma source(%arg9 : memref<64x128xf32, #tpu.memory_space<vmem>>) target(%dma_start3A_122 : memref<64x128xf32, #tpu.memory_space<hbm>>) target_semaphore(%arg29 : memref<!tpu.dma_semaphore, #tpu.memory_space<semaphore_mem>>)
    %dma_wait3A_123 = arith.constant 4 : i32
    %dma_wait3A_124 = arith.constant 0 : i32
    %dma_wait3A_125 = tpu.memref_slice %arg5[%dma_wait3A_123, %dma_wait3A_124] : memref<160x64xi32, #tpu.memory_space<vmem>> -> memref<1x64xi32, #tpu.memory_space<vmem>>
    %dma_wait3A_126 = tpu.memref_squeeze %dma_wait3A_125 : memref<1x64xi32, #tpu.memory_space<vmem>> -> memref<64xi32, #tpu.memory_space<vmem>>
    %dma_wait3A_127 = arith.constant 0 : i32
    %dma_wait3A_128 = arith.constant 0 : i32
    %dma_wait3A_129 = tpu.memref_slice %arg3[%dma_wait3A_127, %dma_wait3A_128] : memref<100000x128xf32, #tpu.memory_space<hbm>> -> memref<100000x128xf32, #tpu.memory_space<hbm>>
    tpu.wait_indirect_dma semaphore(%arg20 : memref<!tpu.dma_semaphore, #tpu.memory_space<semaphore_mem>>) src(%dma_wait3A_129 : memref<100000x128xf32, #tpu.memory_space<hbm>>) dst(%arg10 : memref<64x128xf32, #tpu.memory_space<vmem>>)
    %add3A_130 = arith.constant 256 : i32
    %add3A_131 = arith.addi %mul3A_2, %add3A_130 : i32
    %dma_start3A_132 = arith.constant 0 : i32
    %dma_start3A_133 = tpu.memref_slice %arg4[%add3A_131, %dma_start3A_132] : memref<327680x128xf32, #tpu.memory_space<hbm>> -> memref<64x128xf32, #tpu.memory_space<hbm>>
    %dma_start3A_134 = arith.constant 0 : i32
    %dma_start3A_135 = tpu.memref_slice %arg4[%add3A_131, %dma_start3A_134] : memref<327680x128xf32, #tpu.memory_space<hbm>> -> memref<64x128xf32, #tpu.memory_space<hbm>>
    tpu.enqueue_dma source(%arg10 : memref<64x128xf32, #tpu.memory_space<vmem>>) target(%dma_start3A_135 : memref<64x128xf32, #tpu.memory_space<hbm>>) target_semaphore(%arg30 : memref<!tpu.dma_semaphore, #tpu.memory_space<semaphore_mem>>)
    %add3A_136 = arith.constant 0 : i32
    %add3A_137 = arith.addi %mul3A_2, %add3A_136 : i32
    %dma_wait3A_138 = arith.constant 0 : i32
    %dma_wait3A_139 = tpu.memref_slice %arg4[%add3A_137, %dma_wait3A_138] : memref<327680x128xf32, #tpu.memory_space<hbm>> -> memref<64x128xf32, #tpu.memory_space<hbm>>
    %dma_wait3A_140 = arith.constant 0 : i32
    %dma_wait3A_141 = tpu.memref_slice %arg4[%add3A_137, %dma_wait3A_140] : memref<327680x128xf32, #tpu.memory_space<hbm>> -> memref<64x128xf32, #tpu.memory_space<hbm>>
    tpu.wait_dma2 semaphore(%arg26 : memref<!tpu.dma_semaphore, #tpu.memory_space<semaphore_mem>>) src(%arg6 : memref<64x128xf32, #tpu.memory_space<vmem>>) dst(%dma_wait3A_141 : memref<64x128xf32, #tpu.memory_space<hbm>>)
    %dma_start3A_142 = arith.constant 10 : i32
    %dma_start3A_143 = arith.constant 0 : i32
    %dma_start3A_144 = tpu.memref_slice %arg5[%dma_start3A_142, %dma_start3A_143] : memref<160x64xi32, #tpu.memory_space<vmem>> -> memref<1x64xi32, #tpu.memory_space<vmem>>
    %dma_start3A_145 = tpu.memref_squeeze %dma_start3A_144 : memref<1x64xi32, #tpu.memory_space<vmem>> -> memref<64xi32, #tpu.memory_space<vmem>>
    %dma_start3A_146 = arith.constant 0 : i32
    %dma_start3A_147 = arith.constant 0 : i32
    %dma_start3A_148 = tpu.memref_slice %arg3[%dma_start3A_146, %dma_start3A_147] : memref<100000x128xf32, #tpu.memory_space<hbm>> -> memref<100000x128xf32, #tpu.memory_space<hbm>>
    tpu.enqueue_indirect_dma source(%dma_start3A_148 : memref<100000x128xf32, #tpu.memory_space<hbm>>) target(%arg6 : memref<64x128xf32, #tpu.memory_space<vmem>>) offsets(%dma_start3A_145 : memref<64xi32, #tpu.memory_space<vmem>>) semaphore(%arg16 : memref<!tpu.dma_semaphore, #tpu.memory_space<semaphore_mem>>)
    %dma_wait3A_149 = arith.constant 5 : i32
    %dma_wait3A_150 = arith.constant 0 : i32
    %dma_wait3A_151 = tpu.memref_slice %arg5[%dma_wait3A_149, %dma_wait3A_150] : memref<160x64xi32, #tpu.memory_space<vmem>> -> memref<1x64xi32, #tpu.memory_space<vmem>>
    %dma_wait3A_152 = tpu.memref_squeeze %dma_wait3A_151 : memref<1x64xi32, #tpu.memory_space<vmem>> -> memref<64xi32, #tpu.memory_space<vmem>>
    %dma_wait3A_153 = arith.constant 0 : i32
    %dma_wait3A_154 = arith.constant 0 : i32
    %dma_wait3A_155 = tpu.memref_slice %arg3[%dma_wait3A_153, %dma_wait3A_154] : memref<100000x128xf32, #tpu.memory_space<hbm>> -> memref<100000x128xf32, #tpu.memory_space<hbm>>
    tpu.wait_indirect_dma semaphore(%arg21 : memref<!tpu.dma_semaphore, #tpu.memory_space<semaphore_mem>>) src(%dma_wait3A_155 : memref<100000x128xf32, #tpu.memory_space<hbm>>) dst(%arg11 : memref<64x128xf32, #tpu.memory_space<vmem>>)
    %add3A_156 = arith.constant 320 : i32
    %add3A_157 = arith.addi %mul3A_2, %add3A_156 : i32
    %dma_start3A_158 = arith.constant 0 : i32
    %dma_start3A_159 = tpu.memref_slice %arg4[%add3A_157, %dma_start3A_158] : memref<327680x128xf32, #tpu.memory_space<hbm>> -> memref<64x128xf32, #tpu.memory_space<hbm>>
    %dma_start3A_160 = arith.constant 0 : i32
    %dma_start3A_161 = tpu.memref_slice %arg4[%add3A_157, %dma_start3A_160] : memref<327680x128xf32, #tpu.memory_space<hbm>> -> memref<64x128xf32, #tpu.memory_space<hbm>>
    tpu.enqueue_dma source(%arg11 : memref<64x128xf32, #tpu.memory_space<vmem>>) target(%dma_start3A_161 : memref<64x128xf32, #tpu.memory_space<hbm>>) target_semaphore(%arg31 : memref<!tpu.dma_semaphore, #tpu.memory_space<semaphore_mem>>)
    %add3A_162 = arith.constant 64 : i32
    %add3A_163 = arith.addi %mul3A_2, %add3A_162 : i32
    %dma_wait3A_164 = arith.constant 0 : i32
    %dma_wait3A_165 = tpu.memref_slice %arg4[%add3A_163, %dma_wait3A_164] : memref<327680x128xf32, #tpu.memory_space<hbm>> -> memref<64x128xf32, #tpu.memory_space<hbm>>
    %dma_wait3A_166 = arith.constant 0 : i32
    %dma_wait3A_167 = tpu.memref_slice %arg4[%add3A_163, %dma_wait3A_166] : memref<327680x128xf32, #tpu.memory_space<hbm>> -> memref<64x128xf32, #tpu.memory_space<hbm>>
    tpu.wait_dma2 semaphore(%arg27 : memref<!tpu.dma_semaphore, #tpu.memory_space<semaphore_mem>>) src(%arg7 : memref<64x128xf32, #tpu.memory_space<vmem>>) dst(%dma_wait3A_167 : memref<64x128xf32, #tpu.memory_space<hbm>>)
    %dma_start3A_168 = arith.constant 11 : i32
    %dma_start3A_169 = arith.constant 0 : i32
    %dma_start3A_170 = tpu.memref_slice %arg5[%dma_start3A_168, %dma_start3A_169] : memref<160x64xi32, #tpu.memory_space<vmem>> -> memref<1x64xi32, #tpu.memory_space<vmem>>
    %dma_start3A_171 = tpu.memref_squeeze %dma_start3A_170 : memref<1x64xi32, #tpu.memory_space<vmem>> -> memref<64xi32, #tpu.memory_space<vmem>>
    %dma_start3A_172 = arith.constant 0 : i32
    %dma_start3A_173 = arith.constant 0 : i32
    %dma_start3A_174 = tpu.memref_slice %arg3[%dma_start3A_172, %dma_start3A_173] : memref<100000x128xf32, #tpu.memory_space<hbm>> -> memref<100000x128xf32, #tpu.memory_space<hbm>>
    tpu.enqueue_indirect_dma source(%dma_start3A_174 : memref<100000x128xf32, #tpu.memory_space<hbm>>) target(%arg7 : memref<64x128xf32, #tpu.memory_space<vmem>>) offsets(%dma_start3A_171 : memref<64xi32, #tpu.memory_space<vmem>>) semaphore(%arg17 : memref<!tpu.dma_semaphore, #tpu.memory_space<semaphore_mem>>)
    %dma_wait3A_175 = arith.constant 6 : i32
    %dma_wait3A_176 = arith.constant 0 : i32
    %dma_wait3A_177 = tpu.memref_slice %arg5[%dma_wait3A_175, %dma_wait3A_176] : memref<160x64xi32, #tpu.memory_space<vmem>> -> memref<1x64xi32, #tpu.memory_space<vmem>>
    %dma_wait3A_178 = tpu.memref_squeeze %dma_wait3A_177 : memref<1x64xi32, #tpu.memory_space<vmem>> -> memref<64xi32, #tpu.memory_space<vmem>>
    %dma_wait3A_179 = arith.constant 0 : i32
    %dma_wait3A_180 = arith.constant 0 : i32
    %dma_wait3A_181 = tpu.memref_slice %arg3[%dma_wait3A_179, %dma_wait3A_180] : memref<100000x128xf32, #tpu.memory_space<hbm>> -> memref<100000x128xf32, #tpu.memory_space<hbm>>
    tpu.wait_indirect_dma semaphore(%arg22 : memref<!tpu.dma_semaphore, #tpu.memory_space<semaphore_mem>>) src(%dma_wait3A_181 : memref<100000x128xf32, #tpu.memory_space<hbm>>) dst(%arg12 : memref<64x128xf32, #tpu.memory_space<vmem>>)
    %add3A_182 = arith.constant 384 : i32
    %add3A_183 = arith.addi %mul3A_2, %add3A_182 : i32
    %dma_start3A_184 = arith.constant 0 : i32
    %dma_start3A_185 = tpu.memref_slice %arg4[%add3A_183, %dma_start3A_184] : memref<327680x128xf32, #tpu.memory_space<hbm>> -> memref<64x128xf32, #tpu.memory_space<hbm>>
    %dma_start3A_186 = arith.constant 0 : i32
    %dma_start3A_187 = tpu.memref_slice %arg4[%add3A_183, %dma_start3A_186] : memref<327680x128xf32, #tpu.memory_space<hbm>> -> memref<64x128xf32, #tpu.memory_space<hbm>>
    tpu.enqueue_dma source(%arg12 : memref<64x128xf32, #tpu.memory_space<vmem>>) target(%dma_start3A_187 : memref<64x128xf32, #tpu.memory_space<hbm>>) target_semaphore(%arg32 : memref<!tpu.dma_semaphore, #tpu.memory_space<semaphore_mem>>)
    %add3A_188 = arith.constant 128 : i32
    %add3A_189 = arith.addi %mul3A_2, %add3A_188 : i32
    %dma_wait3A_190 = arith.constant 0 : i32
    %dma_wait3A_191 = tpu.memref_slice %arg4[%add3A_189, %dma_wait3A_190] : memref<327680x128xf32, #tpu.memory_space<hbm>> -> memref<64x128xf32, #tpu.memory_space<hbm>>
    %dma_wait3A_192 = arith.constant 0 : i32
    %dma_wait3A_193 = tpu.memref_slice %arg4[%add3A_189, %dma_wait3A_192] : memref<327680x128xf32, #tpu.memory_space<hbm>> -> memref<64x128xf32, #tpu.memory_space<hbm>>
    tpu.wait_dma2 semaphore(%arg28 : memref<!tpu.dma_semaphore, #tpu.memory_space<semaphore_mem>>) src(%arg8 : memref<64x128xf32, #tpu.memory_space<vmem>>) dst(%dma_wait3A_193 : memref<64x128xf32, #tpu.memory_space<hbm>>)
    %dma_start3A_194 = arith.constant 12 : i32
    %dma_start3A_195 = arith.constant 0 : i32
    %dma_start3A_196 = tpu.memref_slice %arg5[%dma_start3A_194, %dma_start3A_195] : memref<160x64xi32, #tpu.memory_space<vmem>> -> memref<1x64xi32, #tpu.memory_space<vmem>>
    %dma_start3A_197 = tpu.memref_squeeze %dma_start3A_196 : memref<1x64xi32, #tpu.memory_space<vmem>> -> memref<64xi32, #tpu.memory_space<vmem>>
    %dma_start3A_198 = arith.constant 0 : i32
    %dma_start3A_199 = arith.constant 0 : i32
    %dma_start3A_200 = tpu.memref_slice %arg3[%dma_start3A_198, %dma_start3A_199] : memref<100000x128xf32, #tpu.memory_space<hbm>> -> memref<100000x128xf32, #tpu.memory_space<hbm>>
    tpu.enqueue_indirect_dma source(%dma_start3A_200 : memref<100000x128xf32, #tpu.memory_space<hbm>>) target(%arg8 : memref<64x128xf32, #tpu.memory_space<vmem>>) offsets(%dma_start3A_197 : memref<64xi32, #tpu.memory_space<vmem>>) semaphore(%arg18 : memref<!tpu.dma_semaphore, #tpu.memory_space<semaphore_mem>>)
    %dma_wait3A_201 = arith.constant 7 : i32
    %dma_wait3A_202 = arith.constant 0 : i32
    %dma_wait3A_203 = tpu.memref_slice %arg5[%dma_wait3A_201, %dma_wait3A_202] : memref<160x64xi32, #tpu.memory_space<vmem>> -> memref<1x64xi32, #tpu.memory_space<vmem>>
    %dma_wait3A_204 = tpu.memref_squeeze %dma_wait3A_203 : memref<1x64xi32, #tpu.memory_space<vmem>> -> memref<64xi32, #tpu.memory_space<vmem>>
    %dma_wait3A_205 = arith.constant 0 : i32
    %dma_wait3A_206 = arith.constant 0 : i32
    %dma_wait3A_207 = tpu.memref_slice %arg3[%dma_wait3A_205, %dma_wait3A_206] : memref<100000x128xf32, #tpu.memory_space<hbm>> -> memref<100000x128xf32, #tpu.memory_space<hbm>>
    tpu.wait_indirect_dma semaphore(%arg23 : memref<!tpu.dma_semaphore, #tpu.memory_space<semaphore_mem>>) src(%dma_wait3A_207 : memref<100000x128xf32, #tpu.memory_space<hbm>>) dst(%arg13 : memref<64x128xf32, #tpu.memory_space<vmem>>)
    %add3A_208 = arith.constant 448 : i32
    %add3A_209 = arith.addi %mul3A_2, %add3A_208 : i32
    %dma_start3A_210 = arith.constant 0 : i32
    %dma_start3A_211 = tpu.memref_slice %arg4[%add3A_209, %dma_start3A_210] : memref<327680x128xf32, #tpu.memory_space<hbm>> -> memref<64x128xf32, #tpu.memory_space<hbm>>
    %dma_start3A_212 = arith.constant 0 : i32
    %dma_start3A_213 = tpu.memref_slice %arg4[%add3A_209, %dma_start3A_212] : memref<327680x128xf32, #tpu.memory_space<hbm>> -> memref<64x128xf32, #tpu.memory_space<hbm>>
    tpu.enqueue_dma source(%arg13 : memref<64x128xf32, #tpu.memory_space<vmem>>) target(%dma_start3A_213 : memref<64x128xf32, #tpu.memory_space<hbm>>) target_semaphore(%arg33 : memref<!tpu.dma_semaphore, #tpu.memory_space<semaphore_mem>>)
    %add3A_214 = arith.constant 192 : i32
    %add3A_215 = arith.addi %mul3A_2, %add3A_214 : i32
    %dma_wait3A_216 = arith.constant 0 : i32
    %dma_wait3A_217 = tpu.memref_slice %arg4[%add3A_215, %dma_wait3A_216] : memref<327680x128xf32, #tpu.memory_space<hbm>> -> memref<64x128xf32, #tpu.memory_space<hbm>>
    %dma_wait3A_218 = arith.constant 0 : i32
    %dma_wait3A_219 = tpu.memref_slice %arg4[%add3A_215, %dma_wait3A_218] : memref<327680x128xf32, #tpu.memory_space<hbm>> -> memref<64x128xf32, #tpu.memory_space<hbm>>
    tpu.wait_dma2 semaphore(%arg29 : memref<!tpu.dma_semaphore, #tpu.memory_space<semaphore_mem>>) src(%arg9 : memref<64x128xf32, #tpu.memory_space<vmem>>) dst(%dma_wait3A_219 : memref<64x128xf32, #tpu.memory_space<hbm>>)
    %dma_start3A_220 = arith.constant 13 : i32
    %dma_start3A_221 = arith.constant 0 : i32
    %dma_start3A_222 = tpu.memref_slice %arg5[%dma_start3A_220, %dma_start3A_221] : memref<160x64xi32, #tpu.memory_space<vmem>> -> memref<1x64xi32, #tpu.memory_space<vmem>>
    %dma_start3A_223 = tpu.memref_squeeze %dma_start3A_222 : memref<1x64xi32, #tpu.memory_space<vmem>> -> memref<64xi32, #tpu.memory_space<vmem>>
    %dma_start3A_224 = arith.constant 0 : i32
    %dma_start3A_225 = arith.constant 0 : i32
    %dma_start3A_226 = tpu.memref_slice %arg3[%dma_start3A_224, %dma_start3A_225] : memref<100000x128xf32, #tpu.memory_space<hbm>> -> memref<100000x128xf32, #tpu.memory_space<hbm>>
    tpu.enqueue_indirect_dma source(%dma_start3A_226 : memref<100000x128xf32, #tpu.memory_space<hbm>>) target(%arg9 : memref<64x128xf32, #tpu.memory_space<vmem>>) offsets(%dma_start3A_223 : memref<64xi32, #tpu.memory_space<vmem>>) semaphore(%arg19 : memref<!tpu.dma_semaphore, #tpu.memory_space<semaphore_mem>>)
    %dma_wait3A_227 = arith.constant 8 : i32
    %dma_wait3A_228 = arith.constant 0 : i32
    %dma_wait3A_229 = tpu.memref_slice %arg5[%dma_wait3A_227, %dma_wait3A_228] : memref<160x64xi32, #tpu.memory_space<vmem>> -> memref<1x64xi32, #tpu.memory_space<vmem>>
    %dma_wait3A_230 = tpu.memref_squeeze %dma_wait3A_229 : memref<1x64xi32, #tpu.memory_space<vmem>> -> memref<64xi32, #tpu.memory_space<vmem>>
    %dma_wait3A_231 = arith.constant 0 : i32
    %dma_wait3A_232 = arith.constant 0 : i32
    %dma_wait3A_233 = tpu.memref_slice %arg3[%dma_wait3A_231, %dma_wait3A_232] : memref<100000x128xf32, #tpu.memory_space<hbm>> -> memref<100000x128xf32, #tpu.memory_space<hbm>>
    tpu.wait_indirect_dma semaphore(%arg24 : memref<!tpu.dma_semaphore, #tpu.memory_space<semaphore_mem>>) src(%dma_wait3A_233 : memref<100000x128xf32, #tpu.memory_space<hbm>>) dst(%arg14 : memref<64x128xf32, #tpu.memory_space<vmem>>)
    %add3A_234 = arith.constant 512 : i32
    %add3A_235 = arith.addi %mul3A_2, %add3A_234 : i32
    %dma_start3A_236 = arith.constant 0 : i32
    %dma_start3A_237 = tpu.memref_slice %arg4[%add3A_235, %dma_start3A_236] : memref<327680x128xf32, #tpu.memory_space<hbm>> -> memref<64x128xf32, #tpu.memory_space<hbm>>
    %dma_start3A_238 = arith.constant 0 : i32
    %dma_start3A_239 = tpu.memref_slice %arg4[%add3A_235, %dma_start3A_238] : memref<327680x128xf32, #tpu.memory_space<hbm>> -> memref<64x128xf32, #tpu.memory_space<hbm>>
    tpu.enqueue_dma source(%arg14 : memref<64x128xf32, #tpu.memory_space<vmem>>) target(%dma_start3A_239 : memref<64x128xf32, #tpu.memory_space<hbm>>) target_semaphore(%arg34 : memref<!tpu.dma_semaphore, #tpu.memory_space<semaphore_mem>>)
    %add3A_240 = arith.constant 256 : i32
    %add3A_241 = arith.addi %mul3A_2, %add3A_240 : i32
    %dma_wait3A_242 = arith.constant 0 : i32
    %dma_wait3A_243 = tpu.memref_slice %arg4[%add3A_241, %dma_wait3A_242] : memref<327680x128xf32, #tpu.memory_space<hbm>> -> memref<64x128xf32, #tpu.memory_space<hbm>>
    %dma_wait3A_244 = arith.constant 0 : i32
    %dma_wait3A_245 = tpu.memref_slice %arg4[%add3A_241, %dma_wait3A_244] : memref<327680x128xf32, #tpu.memory_space<hbm>> -> memref<64x128xf32, #tpu.memory_space<hbm>>
    tpu.wait_dma2 semaphore(%arg30 : memref<!tpu.dma_semaphore, #tpu.memory_space<semaphore_mem>>) src(%arg10 : memref<64x128xf32, #tpu.memory_space<vmem>>) dst(%dma_wait3A_245 : memref<64x128xf32, #tpu.memory_space<hbm>>)
    %dma_start3A_246 = arith.constant 14 : i32
    %dma_start3A_247 = arith.constant 0 : i32
    %dma_start3A_248 = tpu.memref_slice %arg5[%dma_start3A_246, %dma_start3A_247] : memref<160x64xi32, #tpu.memory_space<vmem>> -> memref<1x64xi32, #tpu.memory_space<vmem>>
    %dma_start3A_249 = tpu.memref_squeeze %dma_start3A_248 : memref<1x64xi32, #tpu.memory_space<vmem>> -> memref<64xi32, #tpu.memory_space<vmem>>
    %dma_start3A_250 = arith.constant 0 : i32
    %dma_start3A_251 = arith.constant 0 : i32
    %dma_start3A_252 = tpu.memref_slice %arg3[%dma_start3A_250, %dma_start3A_251] : memref<100000x128xf32, #tpu.memory_space<hbm>> -> memref<100000x128xf32, #tpu.memory_space<hbm>>
    tpu.enqueue_indirect_dma source(%dma_start3A_252 : memref<100000x128xf32, #tpu.memory_space<hbm>>) target(%arg10 : memref<64x128xf32, #tpu.memory_space<vmem>>) offsets(%dma_start3A_249 : memref<64xi32, #tpu.memory_space<vmem>>) semaphore(%arg20 : memref<!tpu.dma_semaphore, #tpu.memory_space<semaphore_mem>>)
    %dma_wait3A_253 = arith.constant 9 : i32
    %dma_wait3A_254 = arith.constant 0 : i32
    %dma_wait3A_255 = tpu.memref_slice %arg5[%dma_wait3A_253, %dma_wait3A_254] : memref<160x64xi32, #tpu.memory_space<vmem>> -> memref<1x64xi32, #tpu.memory_space<vmem>>
    %dma_wait3A_256 = tpu.memref_squeeze %dma_wait3A_255 : memref<1x64xi32, #tpu.memory_space<vmem>> -> memref<64xi32, #tpu.memory_space<vmem>>
    %dma_wait3A_257 = arith.constant 0 : i32
    %dma_wait3A_258 = arith.constant 0 : i32
    %dma_wait3A_259 = tpu.memref_slice %arg3[%dma_wait3A_257, %dma_wait3A_258] : memref<100000x128xf32, #tpu.memory_space<hbm>> -> memref<100000x128xf32, #tpu.memory_space<hbm>>
    tpu.wait_indirect_dma semaphore(%arg25 : memref<!tpu.dma_semaphore, #tpu.memory_space<semaphore_mem>>) src(%dma_wait3A_259 : memref<100000x128xf32, #tpu.memory_space<hbm>>) dst(%arg15 : memref<64x128xf32, #tpu.memory_space<vmem>>)
    %add3A_260 = arith.constant 576 : i32
    %add3A_261 = arith.addi %mul3A_2, %add3A_260 : i32
    %dma_start3A_262 = arith.constant 0 : i32
    %dma_start3A_263 = tpu.memref_slice %arg4[%add3A_261, %dma_start3A_262] : memref<327680x128xf32, #tpu.memory_space<hbm>> -> memref<64x128xf32, #tpu.memory_space<hbm>>
    %dma_start3A_264 = arith.constant 0 : i32
    %dma_start3A_265 = tpu.memref_slice %arg4[%add3A_261, %dma_start3A_264] : memref<327680x128xf32, #tpu.memory_space<hbm>> -> memref<64x128xf32, #tpu.memory_space<hbm>>
    tpu.enqueue_dma source(%arg15 : memref<64x128xf32, #tpu.memory_space<vmem>>) target(%dma_start3A_265 : memref<64x128xf32, #tpu.memory_space<hbm>>) target_semaphore(%arg35 : memref<!tpu.dma_semaphore, #tpu.memory_space<semaphore_mem>>)
    %add3A_266 = arith.constant 320 : i32
    %add3A_267 = arith.addi %mul3A_2, %add3A_266 : i32
    %dma_wait3A_268 = arith.constant 0 : i32
    %dma_wait3A_269 = tpu.memref_slice %arg4[%add3A_267, %dma_wait3A_268] : memref<327680x128xf32, #tpu.memory_space<hbm>> -> memref<64x128xf32, #tpu.memory_space<hbm>>
    %dma_wait3A_270 = arith.constant 0 : i32
    %dma_wait3A_271 = tpu.memref_slice %arg4[%add3A_267, %dma_wait3A_270] : memref<327680x128xf32, #tpu.memory_space<hbm>> -> memref<64x128xf32, #tpu.memory_space<hbm>>
    tpu.wait_dma2 semaphore(%arg31 : memref<!tpu.dma_semaphore, #tpu.memory_space<semaphore_mem>>) src(%arg11 : memref<64x128xf32, #tpu.memory_space<vmem>>) dst(%dma_wait3A_271 : memref<64x128xf32, #tpu.memory_space<hbm>>)
    %dma_start3A_272 = arith.constant 15 : i32
    %dma_start3A_273 = arith.constant 0 : i32
    %dma_start3A_274 = tpu.memref_slice %arg5[%dma_start3A_272, %dma_start3A_273] : memref<160x64xi32, #tpu.memory_space<vmem>> -> memref<1x64xi32, #tpu.memory_space<vmem>>
    %dma_start3A_275 = tpu.memref_squeeze %dma_start3A_274 : memref<1x64xi32, #tpu.memory_space<vmem>> -> memref<64xi32, #tpu.memory_space<vmem>>
    %dma_start3A_276 = arith.constant 0 : i32
    %dma_start3A_277 = arith.constant 0 : i32
    %dma_start3A_278 = tpu.memref_slice %arg3[%dma_start3A_276, %dma_start3A_277] : memref<100000x128xf32, #tpu.memory_space<hbm>> -> memref<100000x128xf32, #tpu.memory_space<hbm>>
    tpu.enqueue_indirect_dma source(%dma_start3A_278 : memref<100000x128xf32, #tpu.memory_space<hbm>>) target(%arg11 : memref<64x128xf32, #tpu.memory_space<vmem>>) offsets(%dma_start3A_275 : memref<64xi32, #tpu.memory_space<vmem>>) semaphore(%arg21 : memref<!tpu.dma_semaphore, #tpu.memory_space<semaphore_mem>>)
    %scan3A = arith.constant 0 : i32
    %scan3A_279 = arith.constant 1 : i32
    %scan3A_280 = arith.constant 14 : i32
    %scan3A_281 = arith.addi %scan3A_279, %scan3A_280 : i32
    %scan3A_282 = arith.constant 1 : i32
    %scan3A_283 = scf.for %scan3A_527 = %scan3A_279 to %scan3A_281 step %scan3A_282 iter_args(%scan3A_528 = %scan3A) -> (i32)  : i32 {
      %mul3A_529 = arith.constant 10 : i32
      %mul3A_530 = arith.muli %mul3A_529, %scan3A_527 : i32
      %add3A_531 = arith.constant 0 : i32
      %add3A_532 = arith.addi %mul3A_530, %add3A_531 : i32
      %dma_wait3A_533 = arith.constant 0 : i32
      %dma_wait3A_534 = tpu.memref_slice %arg5[%add3A_532, %dma_wait3A_533] : memref<160x64xi32, #tpu.memory_space<vmem>> -> memref<1x64xi32, #tpu.memory_space<vmem>>
      %dma_wait3A_535 = tpu.memref_squeeze %dma_wait3A_534 : memref<1x64xi32, #tpu.memory_space<vmem>> -> memref<64xi32, #tpu.memory_space<vmem>>
      %dma_wait3A_536 = arith.constant 0 : i32
      %dma_wait3A_537 = arith.constant 0 : i32
      %dma_wait3A_538 = tpu.memref_slice %arg3[%dma_wait3A_536, %dma_wait3A_537] : memref<100000x128xf32, #tpu.memory_space<hbm>> -> memref<100000x128xf32, #tpu.memory_space<hbm>>
      tpu.wait_indirect_dma semaphore(%arg16 : memref<!tpu.dma_semaphore, #tpu.memory_space<semaphore_mem>>) src(%dma_wait3A_538 : memref<100000x128xf32, #tpu.memory_space<hbm>>) dst(%arg6 : memref<64x128xf32, #tpu.memory_space<vmem>>)
      %mul3A_539 = arith.constant 64 : i32
      %mul3A_540 = arith.muli %add3A_532, %mul3A_539 : i32
      %add3A_541 = arith.addi %mul3A_2, %mul3A_540 : i32
      %dma_start3A_542 = arith.constant 0 : i32
      %dma_start3A_543 = tpu.memref_slice %arg4[%add3A_541, %dma_start3A_542] : memref<327680x128xf32, #tpu.memory_space<hbm>> -> memref<64x128xf32, #tpu.memory_space<hbm>>
      %dma_start3A_544 = arith.constant 0 : i32
      %dma_start3A_545 = tpu.memref_slice %arg4[%add3A_541, %dma_start3A_544] : memref<327680x128xf32, #tpu.memory_space<hbm>> -> memref<64x128xf32, #tpu.memory_space<hbm>>
      tpu.enqueue_dma source(%arg6 : memref<64x128xf32, #tpu.memory_space<vmem>>) target(%dma_start3A_545 : memref<64x128xf32, #tpu.memory_space<hbm>>) target_semaphore(%arg26 : memref<!tpu.dma_semaphore, #tpu.memory_space<semaphore_mem>>)
      %add3A_546 = arith.constant 10 : i32
      %add3A_547 = arith.addi %add3A_532, %add3A_546 : i32
      %sub3A = arith.constant 4 : i32
      %sub3A_548 = arith.subi %add3A_547, %sub3A : i32
      %sub3A_549 = arith.constant 10 : i32
      %sub3A_550 = arith.subi %sub3A_548, %sub3A_549 : i32
      %mul3A_551 = arith.constant 64 : i32
      %mul3A_552 = arith.muli %sub3A_550, %mul3A_551 : i32
      %add3A_553 = arith.addi %mul3A_2, %mul3A_552 : i32
      %dma_wait3A_554 = arith.constant 0 : i32
      %dma_wait3A_555 = tpu.memref_slice %arg4[%add3A_553, %dma_wait3A_554] : memref<327680x128xf32, #tpu.memory_space<hbm>> -> memref<64x128xf32, #tpu.memory_space<hbm>>
      %dma_wait3A_556 = arith.constant 0 : i32
      %dma_wait3A_557 = tpu.memref_slice %arg4[%add3A_553, %dma_wait3A_556] : memref<327680x128xf32, #tpu.memory_space<hbm>> -> memref<64x128xf32, #tpu.memory_space<hbm>>
      tpu.wait_dma2 semaphore(%arg32 : memref<!tpu.dma_semaphore, #tpu.memory_space<semaphore_mem>>) src(%arg12 : memref<64x128xf32, #tpu.memory_space<vmem>>) dst(%dma_wait3A_557 : memref<64x128xf32, #tpu.memory_space<hbm>>)
      %dma_start3A_558 = arith.constant 0 : i32
      %dma_start3A_559 = tpu.memref_slice %arg5[%sub3A_548, %dma_start3A_558] : memref<160x64xi32, #tpu.memory_space<vmem>> -> memref<1x64xi32, #tpu.memory_space<vmem>>
      %dma_start3A_560 = tpu.memref_squeeze %dma_start3A_559 : memref<1x64xi32, #tpu.memory_space<vmem>> -> memref<64xi32, #tpu.memory_space<vmem>>
      %dma_start3A_561 = arith.constant 0 : i32
      %dma_start3A_562 = arith.constant 0 : i32
      %dma_start3A_563 = tpu.memref_slice %arg3[%dma_start3A_561, %dma_start3A_562] : memref<100000x128xf32, #tpu.memory_space<hbm>> -> memref<100000x128xf32, #tpu.memory_space<hbm>>
      tpu.enqueue_indirect_dma source(%dma_start3A_563 : memref<100000x128xf32, #tpu.memory_space<hbm>>) target(%arg12 : memref<64x128xf32, #tpu.memory_space<vmem>>) offsets(%dma_start3A_560 : memref<64xi32, #tpu.memory_space<vmem>>) semaphore(%arg22 : memref<!tpu.dma_semaphore, #tpu.memory_space<semaphore_mem>>)
      %mul3A_564 = arith.constant 10 : i32
      %mul3A_565 = arith.muli %mul3A_564, %scan3A_527 : i32
      %add3A_566 = arith.constant 1 : i32
      %add3A_567 = arith.addi %mul3A_565, %add3A_566 : i32
      %dma_wait3A_568 = arith.constant 0 : i32
      %dma_wait3A_569 = tpu.memref_slice %arg5[%add3A_567, %dma_wait3A_568] : memref<160x64xi32, #tpu.memory_space<vmem>> -> memref<1x64xi32, #tpu.memory_space<vmem>>
      %dma_wait3A_570 = tpu.memref_squeeze %dma_wait3A_569 : memref<1x64xi32, #tpu.memory_space<vmem>> -> memref<64xi32, #tpu.memory_space<vmem>>
      %dma_wait3A_571 = arith.constant 0 : i32
      %dma_wait3A_572 = arith.constant 0 : i32
      %dma_wait3A_573 = tpu.memref_slice %arg3[%dma_wait3A_571, %dma_wait3A_572] : memref<100000x128xf32, #tpu.memory_space<hbm>> -> memref<100000x128xf32, #tpu.memory_space<hbm>>
      tpu.wait_indirect_dma semaphore(%arg17 : memref<!tpu.dma_semaphore, #tpu.memory_space<semaphore_mem>>) src(%dma_wait3A_573 : memref<100000x128xf32, #tpu.memory_space<hbm>>) dst(%arg7 : memref<64x128xf32, #tpu.memory_space<vmem>>)
      %mul3A_574 = arith.constant 64 : i32
      %mul3A_575 = arith.muli %add3A_567, %mul3A_574 : i32
      %add3A_576 = arith.addi %mul3A_2, %mul3A_575 : i32
      %dma_start3A_577 = arith.constant 0 : i32
      %dma_start3A_578 = tpu.memref_slice %arg4[%add3A_576, %dma_start3A_577] : memref<327680x128xf32, #tpu.memory_space<hbm>> -> memref<64x128xf32, #tpu.memory_space<hbm>>
      %dma_start3A_579 = arith.constant 0 : i32
      %dma_start3A_580 = tpu.memref_slice %arg4[%add3A_576, %dma_start3A_579] : memref<327680x128xf32, #tpu.memory_space<hbm>> -> memref<64x128xf32, #tpu.memory_space<hbm>>
      tpu.enqueue_dma source(%arg7 : memref<64x128xf32, #tpu.memory_space<vmem>>) target(%dma_start3A_580 : memref<64x128xf32, #tpu.memory_space<hbm>>) target_semaphore(%arg27 : memref<!tpu.dma_semaphore, #tpu.memory_space<semaphore_mem>>)
      %add3A_581 = arith.constant 10 : i32
      %add3A_582 = arith.addi %add3A_567, %add3A_581 : i32
      %sub3A_583 = arith.constant 4 : i32
      %sub3A_584 = arith.subi %add3A_582, %sub3A_583 : i32
      %sub3A_585 = arith.constant 10 : i32
      %sub3A_586 = arith.subi %sub3A_584, %sub3A_585 : i32
      %mul3A_587 = arith.constant 64 : i32
      %mul3A_588 = arith.muli %sub3A_586, %mul3A_587 : i32
      %add3A_589 = arith.addi %mul3A_2, %mul3A_588 : i32
      %dma_wait3A_590 = arith.constant 0 : i32
      %dma_wait3A_591 = tpu.memref_slice %arg4[%add3A_589, %dma_wait3A_590] : memref<327680x128xf32, #tpu.memory_space<hbm>> -> memref<64x128xf32, #tpu.memory_space<hbm>>
      %dma_wait3A_592 = arith.constant 0 : i32
      %dma_wait3A_593 = tpu.memref_slice %arg4[%add3A_589, %dma_wait3A_592] : memref<327680x128xf32, #tpu.memory_space<hbm>> -> memref<64x128xf32, #tpu.memory_space<hbm>>
      tpu.wait_dma2 semaphore(%arg33 : memref<!tpu.dma_semaphore, #tpu.memory_space<semaphore_mem>>) src(%arg13 : memref<64x128xf32, #tpu.memory_space<vmem>>) dst(%dma_wait3A_593 : memref<64x128xf32, #tpu.memory_space<hbm>>)
      %dma_start3A_594 = arith.constant 0 : i32
      %dma_start3A_595 = tpu.memref_slice %arg5[%sub3A_584, %dma_start3A_594] : memref<160x64xi32, #tpu.memory_space<vmem>> -> memref<1x64xi32, #tpu.memory_space<vmem>>
      %dma_start3A_596 = tpu.memref_squeeze %dma_start3A_595 : memref<1x64xi32, #tpu.memory_space<vmem>> -> memref<64xi32, #tpu.memory_space<vmem>>
      %dma_start3A_597 = arith.constant 0 : i32
      %dma_start3A_598 = arith.constant 0 : i32
      %dma_start3A_599 = tpu.memref_slice %arg3[%dma_start3A_597, %dma_start3A_598] : memref<100000x128xf32, #tpu.memory_space<hbm>> -> memref<100000x128xf32, #tpu.memory_space<hbm>>
      tpu.enqueue_indirect_dma source(%dma_start3A_599 : memref<100000x128xf32, #tpu.memory_space<hbm>>) target(%arg13 : memref<64x128xf32, #tpu.memory_space<vmem>>) offsets(%dma_start3A_596 : memref<64xi32, #tpu.memory_space<vmem>>) semaphore(%arg23 : memref<!tpu.dma_semaphore, #tpu.memory_space<semaphore_mem>>)
      %mul3A_600 = arith.constant 10 : i32
      %mul3A_601 = arith.muli %mul3A_600, %scan3A_527 : i32
      %add3A_602 = arith.constant 2 : i32
      %add3A_603 = arith.addi %mul3A_601, %add3A_602 : i32
      %dma_wait3A_604 = arith.constant 0 : i32
      %dma_wait3A_605 = tpu.memref_slice %arg5[%add3A_603, %dma_wait3A_604] : memref<160x64xi32, #tpu.memory_space<vmem>> -> memref<1x64xi32, #tpu.memory_space<vmem>>
      %dma_wait3A_606 = tpu.memref_squeeze %dma_wait3A_605 : memref<1x64xi32, #tpu.memory_space<vmem>> -> memref<64xi32, #tpu.memory_space<vmem>>
      %dma_wait3A_607 = arith.constant 0 : i32
      %dma_wait3A_608 = arith.constant 0 : i32
      %dma_wait3A_609 = tpu.memref_slice %arg3[%dma_wait3A_607, %dma_wait3A_608] : memref<100000x128xf32, #tpu.memory_space<hbm>> -> memref<100000x128xf32, #tpu.memory_space<hbm>>
      tpu.wait_indirect_dma semaphore(%arg18 : memref<!tpu.dma_semaphore, #tpu.memory_space<semaphore_mem>>) src(%dma_wait3A_609 : memref<100000x128xf32, #tpu.memory_space<hbm>>) dst(%arg8 : memref<64x128xf32, #tpu.memory_space<vmem>>)
      %mul3A_610 = arith.constant 64 : i32
      %mul3A_611 = arith.muli %add3A_603, %mul3A_610 : i32
      %add3A_612 = arith.addi %mul3A_2, %mul3A_611 : i32
      %dma_start3A_613 = arith.constant 0 : i32
      %dma_start3A_614 = tpu.memref_slice %arg4[%add3A_612, %dma_start3A_613] : memref<327680x128xf32, #tpu.memory_space<hbm>> -> memref<64x128xf32, #tpu.memory_space<hbm>>
      %dma_start3A_615 = arith.constant 0 : i32
      %dma_start3A_616 = tpu.memref_slice %arg4[%add3A_612, %dma_start3A_615] : memref<327680x128xf32, #tpu.memory_space<hbm>> -> memref<64x128xf32, #tpu.memory_space<hbm>>
      tpu.enqueue_dma source(%arg8 : memref<64x128xf32, #tpu.memory_space<vmem>>) target(%dma_start3A_616 : memref<64x128xf32, #tpu.memory_space<hbm>>) target_semaphore(%arg28 : memref<!tpu.dma_semaphore, #tpu.memory_space<semaphore_mem>>)
      %add3A_617 = arith.constant 10 : i32
      %add3A_618 = arith.addi %add3A_603, %add3A_617 : i32
      %sub3A_619 = arith.constant 4 : i32
      %sub3A_620 = arith.subi %add3A_618, %sub3A_619 : i32
      %sub3A_621 = arith.constant 10 : i32
      %sub3A_622 = arith.subi %sub3A_620, %sub3A_621 : i32
      %mul3A_623 = arith.constant 64 : i32
      %mul3A_624 = arith.muli %sub3A_622, %mul3A_623 : i32
      %add3A_625 = arith.addi %mul3A_2, %mul3A_624 : i32
      %dma_wait3A_626 = arith.constant 0 : i32
      %dma_wait3A_627 = tpu.memref_slice %arg4[%add3A_625, %dma_wait3A_626] : memref<327680x128xf32, #tpu.memory_space<hbm>> -> memref<64x128xf32, #tpu.memory_space<hbm>>
      %dma_wait3A_628 = arith.constant 0 : i32
      %dma_wait3A_629 = tpu.memref_slice %arg4[%add3A_625, %dma_wait3A_628] : memref<327680x128xf32, #tpu.memory_space<hbm>> -> memref<64x128xf32, #tpu.memory_space<hbm>>
      tpu.wait_dma2 semaphore(%arg34 : memref<!tpu.dma_semaphore, #tpu.memory_space<semaphore_mem>>) src(%arg14 : memref<64x128xf32, #tpu.memory_space<vmem>>) dst(%dma_wait3A_629 : memref<64x128xf32, #tpu.memory_space<hbm>>)
      %dma_start3A_630 = arith.constant 0 : i32
      %dma_start3A_631 = tpu.memref_slice %arg5[%sub3A_620, %dma_start3A_630] : memref<160x64xi32, #tpu.memory_space<vmem>> -> memref<1x64xi32, #tpu.memory_space<vmem>>
      %dma_start3A_632 = tpu.memref_squeeze %dma_start3A_631 : memref<1x64xi32, #tpu.memory_space<vmem>> -> memref<64xi32, #tpu.memory_space<vmem>>
      %dma_start3A_633 = arith.constant 0 : i32
      %dma_start3A_634 = arith.constant 0 : i32
      %dma_start3A_635 = tpu.memref_slice %arg3[%dma_start3A_633, %dma_start3A_634] : memref<100000x128xf32, #tpu.memory_space<hbm>> -> memref<100000x128xf32, #tpu.memory_space<hbm>>
      tpu.enqueue_indirect_dma source(%dma_start3A_635 : memref<100000x128xf32, #tpu.memory_space<hbm>>) target(%arg14 : memref<64x128xf32, #tpu.memory_space<vmem>>) offsets(%dma_start3A_632 : memref<64xi32, #tpu.memory_space<vmem>>) semaphore(%arg24 : memref<!tpu.dma_semaphore, #tpu.memory_space<semaphore_mem>>)
      %mul3A_636 = arith.constant 10 : i32
      %mul3A_637 = arith.muli %mul3A_636, %scan3A_527 : i32
      %add3A_638 = arith.constant 3 : i32
      %add3A_639 = arith.addi %mul3A_637, %add3A_638 : i32
      %dma_wait3A_640 = arith.constant 0 : i32
      %dma_wait3A_641 = tpu.memref_slice %arg5[%add3A_639, %dma_wait3A_640] : memref<160x64xi32, #tpu.memory_space<vmem>> -> memref<1x64xi32, #tpu.memory_space<vmem>>
      %dma_wait3A_642 = tpu.memref_squeeze %dma_wait3A_641 : memref<1x64xi32, #tpu.memory_space<vmem>> -> memref<64xi32, #tpu.memory_space<vmem>>
      %dma_wait3A_643 = arith.constant 0 : i32
      %dma_wait3A_644 = arith.constant 0 : i32
      %dma_wait3A_645 = tpu.memref_slice %arg3[%dma_wait3A_643, %dma_wait3A_644] : memref<100000x128xf32, #tpu.memory_space<hbm>> -> memref<100000x128xf32, #tpu.memory_space<hbm>>
      tpu.wait_indirect_dma semaphore(%arg19 : memref<!tpu.dma_semaphore, #tpu.memory_space<semaphore_mem>>) src(%dma_wait3A_645 : memref<100000x128xf32, #tpu.memory_space<hbm>>) dst(%arg9 : memref<64x128xf32, #tpu.memory_space<vmem>>)
      %mul3A_646 = arith.constant 64 : i32
      %mul3A_647 = arith.muli %add3A_639, %mul3A_646 : i32
      %add3A_648 = arith.addi %mul3A_2, %mul3A_647 : i32
      %dma_start3A_649 = arith.constant 0 : i32
      %dma_start3A_650 = tpu.memref_slice %arg4[%add3A_648, %dma_start3A_649] : memref<327680x128xf32, #tpu.memory_space<hbm>> -> memref<64x128xf32, #tpu.memory_space<hbm>>
      %dma_start3A_651 = arith.constant 0 : i32
      %dma_start3A_652 = tpu.memref_slice %arg4[%add3A_648, %dma_start3A_651] : memref<327680x128xf32, #tpu.memory_space<hbm>> -> memref<64x128xf32, #tpu.memory_space<hbm>>
      tpu.enqueue_dma source(%arg9 : memref<64x128xf32, #tpu.memory_space<vmem>>) target(%dma_start3A_652 : memref<64x128xf32, #tpu.memory_space<hbm>>) target_semaphore(%arg29 : memref<!tpu.dma_semaphore, #tpu.memory_space<semaphore_mem>>)
      %add3A_653 = arith.constant 10 : i32
      %add3A_654 = arith.addi %add3A_639, %add3A_653 : i32
      %sub3A_655 = arith.constant 4 : i32
      %sub3A_656 = arith.subi %add3A_654, %sub3A_655 : i32
      %sub3A_657 = arith.constant 10 : i32
      %sub3A_658 = arith.subi %sub3A_656, %sub3A_657 : i32
      %mul3A_659 = arith.constant 64 : i32
      %mul3A_660 = arith.muli %sub3A_658, %mul3A_659 : i32
      %add3A_661 = arith.addi %mul3A_2, %mul3A_660 : i32
      %dma_wait3A_662 = arith.constant 0 : i32
      %dma_wait3A_663 = tpu.memref_slice %arg4[%add3A_661, %dma_wait3A_662] : memref<327680x128xf32, #tpu.memory_space<hbm>> -> memref<64x128xf32, #tpu.memory_space<hbm>>
      %dma_wait3A_664 = arith.constant 0 : i32
      %dma_wait3A_665 = tpu.memref_slice %arg4[%add3A_661, %dma_wait3A_664] : memref<327680x128xf32, #tpu.memory_space<hbm>> -> memref<64x128xf32, #tpu.memory_space<hbm>>
      tpu.wait_dma2 semaphore(%arg35 : memref<!tpu.dma_semaphore, #tpu.memory_space<semaphore_mem>>) src(%arg15 : memref<64x128xf32, #tpu.memory_space<vmem>>) dst(%dma_wait3A_665 : memref<64x128xf32, #tpu.memory_space<hbm>>)
      %dma_start3A_666 = arith.constant 0 : i32
      %dma_start3A_667 = tpu.memref_slice %arg5[%sub3A_656, %dma_start3A_666] : memref<160x64xi32, #tpu.memory_space<vmem>> -> memref<1x64xi32, #tpu.memory_space<vmem>>
      %dma_start3A_668 = tpu.memref_squeeze %dma_start3A_667 : memref<1x64xi32, #tpu.memory_space<vmem>> -> memref<64xi32, #tpu.memory_space<vmem>>
      %dma_start3A_669 = arith.constant 0 : i32
      %dma_start3A_670 = arith.constant 0 : i32
      %dma_start3A_671 = tpu.memref_slice %arg3[%dma_start3A_669, %dma_start3A_670] : memref<100000x128xf32, #tpu.memory_space<hbm>> -> memref<100000x128xf32, #tpu.memory_space<hbm>>
      tpu.enqueue_indirect_dma source(%dma_start3A_671 : memref<100000x128xf32, #tpu.memory_space<hbm>>) target(%arg15 : memref<64x128xf32, #tpu.memory_space<vmem>>) offsets(%dma_start3A_668 : memref<64xi32, #tpu.memory_space<vmem>>) semaphore(%arg25 : memref<!tpu.dma_semaphore, #tpu.memory_space<semaphore_mem>>)
      %mul3A_672 = arith.constant 10 : i32
      %mul3A_673 = arith.muli %mul3A_672, %scan3A_527 : i32
      %add3A_674 = arith.constant 4 : i32
      %add3A_675 = arith.addi %mul3A_673, %add3A_674 : i32
      %dma_wait3A_676 = arith.constant 0 : i32
      %dma_wait3A_677 = tpu.memref_slice %arg5[%add3A_675, %dma_wait3A_676] : memref<160x64xi32, #tpu.memory_space<vmem>> -> memref<1x64xi32, #tpu.memory_space<vmem>>
      %dma_wait3A_678 = tpu.memref_squeeze %dma_wait3A_677 : memref<1x64xi32, #tpu.memory_space<vmem>> -> memref<64xi32, #tpu.memory_space<vmem>>
      %dma_wait3A_679 = arith.constant 0 : i32
      %dma_wait3A_680 = arith.constant 0 : i32
      %dma_wait3A_681 = tpu.memref_slice %arg3[%dma_wait3A_679, %dma_wait3A_680] : memref<100000x128xf32, #tpu.memory_space<hbm>> -> memref<100000x128xf32, #tpu.memory_space<hbm>>
      tpu.wait_indirect_dma semaphore(%arg20 : memref<!tpu.dma_semaphore, #tpu.memory_space<semaphore_mem>>) src(%dma_wait3A_681 : memref<100000x128xf32, #tpu.memory_space<hbm>>) dst(%arg10 : memref<64x128xf32, #tpu.memory_space<vmem>>)
      %mul3A_682 = arith.constant 64 : i32
      %mul3A_683 = arith.muli %add3A_675, %mul3A_682 : i32
      %add3A_684 = arith.addi %mul3A_2, %mul3A_683 : i32
      %dma_start3A_685 = arith.constant 0 : i32
      %dma_start3A_686 = tpu.memref_slice %arg4[%add3A_684, %dma_start3A_685] : memref<327680x128xf32, #tpu.memory_space<hbm>> -> memref<64x128xf32, #tpu.memory_space<hbm>>
      %dma_start3A_687 = arith.constant 0 : i32
      %dma_start3A_688 = tpu.memref_slice %arg4[%add3A_684, %dma_start3A_687] : memref<327680x128xf32, #tpu.memory_space<hbm>> -> memref<64x128xf32, #tpu.memory_space<hbm>>
      tpu.enqueue_dma source(%arg10 : memref<64x128xf32, #tpu.memory_space<vmem>>) target(%dma_start3A_688 : memref<64x128xf32, #tpu.memory_space<hbm>>) target_semaphore(%arg30 : memref<!tpu.dma_semaphore, #tpu.memory_space<semaphore_mem>>)
      %add3A_689 = arith.constant 10 : i32
      %add3A_690 = arith.addi %add3A_675, %add3A_689 : i32
      %sub3A_691 = arith.constant 4 : i32
      %sub3A_692 = arith.subi %add3A_690, %sub3A_691 : i32
      %sub3A_693 = arith.constant 10 : i32
      %sub3A_694 = arith.subi %sub3A_692, %sub3A_693 : i32
      %mul3A_695 = arith.constant 64 : i32
      %mul3A_696 = arith.muli %sub3A_694, %mul3A_695 : i32
      %add3A_697 = arith.addi %mul3A_2, %mul3A_696 : i32
      %dma_wait3A_698 = arith.constant 0 : i32
      %dma_wait3A_699 = tpu.memref_slice %arg4[%add3A_697, %dma_wait3A_698] : memref<327680x128xf32, #tpu.memory_space<hbm>> -> memref<64x128xf32, #tpu.memory_space<hbm>>
      %dma_wait3A_700 = arith.constant 0 : i32
      %dma_wait3A_701 = tpu.memref_slice %arg4[%add3A_697, %dma_wait3A_700] : memref<327680x128xf32, #tpu.memory_space<hbm>> -> memref<64x128xf32, #tpu.memory_space<hbm>>
      tpu.wait_dma2 semaphore(%arg26 : memref<!tpu.dma_semaphore, #tpu.memory_space<semaphore_mem>>) src(%arg6 : memref<64x128xf32, #tpu.memory_space<vmem>>) dst(%dma_wait3A_701 : memref<64x128xf32, #tpu.memory_space<hbm>>)
      %dma_start3A_702 = arith.constant 0 : i32
      %dma_start3A_703 = tpu.memref_slice %arg5[%sub3A_692, %dma_start3A_702] : memref<160x64xi32, #tpu.memory_space<vmem>> -> memref<1x64xi32, #tpu.memory_space<vmem>>
      %dma_start3A_704 = tpu.memref_squeeze %dma_start3A_703 : memref<1x64xi32, #tpu.memory_space<vmem>> -> memref<64xi32, #tpu.memory_space<vmem>>
      %dma_start3A_705 = arith.constant 0 : i32
      %dma_start3A_706 = arith.constant 0 : i32
      %dma_start3A_707 = tpu.memref_slice %arg3[%dma_start3A_705, %dma_start3A_706] : memref<100000x128xf32, #tpu.memory_space<hbm>> -> memref<100000x128xf32, #tpu.memory_space<hbm>>
      tpu.enqueue_indirect_dma source(%dma_start3A_707 : memref<100000x128xf32, #tpu.memory_space<hbm>>) target(%arg6 : memref<64x128xf32, #tpu.memory_space<vmem>>) offsets(%dma_start3A_704 : memref<64xi32, #tpu.memory_space<vmem>>) semaphore(%arg16 : memref<!tpu.dma_semaphore, #tpu.memory_space<semaphore_mem>>)
      %mul3A_708 = arith.constant 10 : i32
      %mul3A_709 = arith.muli %mul3A_708, %scan3A_527 : i32
      %add3A_710 = arith.constant 5 : i32
      %add3A_711 = arith.addi %mul3A_709, %add3A_710 : i32
      %dma_wait3A_712 = arith.constant 0 : i32
      %dma_wait3A_713 = tpu.memref_slice %arg5[%add3A_711, %dma_wait3A_712] : memref<160x64xi32, #tpu.memory_space<vmem>> -> memref<1x64xi32, #tpu.memory_space<vmem>>
      %dma_wait3A_714 = tpu.memref_squeeze %dma_wait3A_713 : memref<1x64xi32, #tpu.memory_space<vmem>> -> memref<64xi32, #tpu.memory_space<vmem>>
      %dma_wait3A_715 = arith.constant 0 : i32
      %dma_wait3A_716 = arith.constant 0 : i32
      %dma_wait3A_717 = tpu.memref_slice %arg3[%dma_wait3A_715, %dma_wait3A_716] : memref<100000x128xf32, #tpu.memory_space<hbm>> -> memref<100000x128xf32, #tpu.memory_space<hbm>>
      tpu.wait_indirect_dma semaphore(%arg21 : memref<!tpu.dma_semaphore, #tpu.memory_space<semaphore_mem>>) src(%dma_wait3A_717 : memref<100000x128xf32, #tpu.memory_space<hbm>>) dst(%arg11 : memref<64x128xf32, #tpu.memory_space<vmem>>)
      %mul3A_718 = arith.constant 64 : i32
      %mul3A_719 = arith.muli %add3A_711, %mul3A_718 : i32
      %add3A_720 = arith.addi %mul3A_2, %mul3A_719 : i32
      %dma_start3A_721 = arith.constant 0 : i32
      %dma_start3A_722 = tpu.memref_slice %arg4[%add3A_720, %dma_start3A_721] : memref<327680x128xf32, #tpu.memory_space<hbm>> -> memref<64x128xf32, #tpu.memory_space<hbm>>
      %dma_start3A_723 = arith.constant 0 : i32
      %dma_start3A_724 = tpu.memref_slice %arg4[%add3A_720, %dma_start3A_723] : memref<327680x128xf32, #tpu.memory_space<hbm>> -> memref<64x128xf32, #tpu.memory_space<hbm>>
      tpu.enqueue_dma source(%arg11 : memref<64x128xf32, #tpu.memory_space<vmem>>) target(%dma_start3A_724 : memref<64x128xf32, #tpu.memory_space<hbm>>) target_semaphore(%arg31 : memref<!tpu.dma_semaphore, #tpu.memory_space<semaphore_mem>>)
      %add3A_725 = arith.constant 10 : i32
      %add3A_726 = arith.addi %add3A_711, %add3A_725 : i32
      %sub3A_727 = arith.constant 4 : i32
      %sub3A_728 = arith.subi %add3A_726, %sub3A_727 : i32
      %sub3A_729 = arith.constant 10 : i32
      %sub3A_730 = arith.subi %sub3A_728, %sub3A_729 : i32
      %mul3A_731 = arith.constant 64 : i32
      %mul3A_732 = arith.muli %sub3A_730, %mul3A_731 : i32
      %add3A_733 = arith.addi %mul3A_2, %mul3A_732 : i32
      %dma_wait3A_734 = arith.constant 0 : i32
      %dma_wait3A_735 = tpu.memref_slice %arg4[%add3A_733, %dma_wait3A_734] : memref<327680x128xf32, #tpu.memory_space<hbm>> -> memref<64x128xf32, #tpu.memory_space<hbm>>
      %dma_wait3A_736 = arith.constant 0 : i32
      %dma_wait3A_737 = tpu.memref_slice %arg4[%add3A_733, %dma_wait3A_736] : memref<327680x128xf32, #tpu.memory_space<hbm>> -> memref<64x128xf32, #tpu.memory_space<hbm>>
      tpu.wait_dma2 semaphore(%arg27 : memref<!tpu.dma_semaphore, #tpu.memory_space<semaphore_mem>>) src(%arg7 : memref<64x128xf32, #tpu.memory_space<vmem>>) dst(%dma_wait3A_737 : memref<64x128xf32, #tpu.memory_space<hbm>>)
      %dma_start3A_738 = arith.constant 0 : i32
      %dma_start3A_739 = tpu.memref_slice %arg5[%sub3A_728, %dma_start3A_738] : memref<160x64xi32, #tpu.memory_space<vmem>> -> memref<1x64xi32, #tpu.memory_space<vmem>>
      %dma_start3A_740 = tpu.memref_squeeze %dma_start3A_739 : memref<1x64xi32, #tpu.memory_space<vmem>> -> memref<64xi32, #tpu.memory_space<vmem>>
      %dma_start3A_741 = arith.constant 0 : i32
      %dma_start3A_742 = arith.constant 0 : i32
      %dma_start3A_743 = tpu.memref_slice %arg3[%dma_start3A_741, %dma_start3A_742] : memref<100000x128xf32, #tpu.memory_space<hbm>> -> memref<100000x128xf32, #tpu.memory_space<hbm>>
      tpu.enqueue_indirect_dma source(%dma_start3A_743 : memref<100000x128xf32, #tpu.memory_space<hbm>>) target(%arg7 : memref<64x128xf32, #tpu.memory_space<vmem>>) offsets(%dma_start3A_740 : memref<64xi32, #tpu.memory_space<vmem>>) semaphore(%arg17 : memref<!tpu.dma_semaphore, #tpu.memory_space<semaphore_mem>>)
      %mul3A_744 = arith.constant 10 : i32
      %mul3A_745 = arith.muli %mul3A_744, %scan3A_527 : i32
      %add3A_746 = arith.constant 6 : i32
      %add3A_747 = arith.addi %mul3A_745, %add3A_746 : i32
      %dma_wait3A_748 = arith.constant 0 : i32
      %dma_wait3A_749 = tpu.memref_slice %arg5[%add3A_747, %dma_wait3A_748] : memref<160x64xi32, #tpu.memory_space<vmem>> -> memref<1x64xi32, #tpu.memory_space<vmem>>
      %dma_wait3A_750 = tpu.memref_squeeze %dma_wait3A_749 : memref<1x64xi32, #tpu.memory_space<vmem>> -> memref<64xi32, #tpu.memory_space<vmem>>
      %dma_wait3A_751 = arith.constant 0 : i32
      %dma_wait3A_752 = arith.constant 0 : i32
      %dma_wait3A_753 = tpu.memref_slice %arg3[%dma_wait3A_751, %dma_wait3A_752] : memref<100000x128xf32, #tpu.memory_space<hbm>> -> memref<100000x128xf32, #tpu.memory_space<hbm>>
      tpu.wait_indirect_dma semaphore(%arg22 : memref<!tpu.dma_semaphore, #tpu.memory_space<semaphore_mem>>) src(%dma_wait3A_753 : memref<100000x128xf32, #tpu.memory_space<hbm>>) dst(%arg12 : memref<64x128xf32, #tpu.memory_space<vmem>>)
      %mul3A_754 = arith.constant 64 : i32
      %mul3A_755 = arith.muli %add3A_747, %mul3A_754 : i32
      %add3A_756 = arith.addi %mul3A_2, %mul3A_755 : i32
      %dma_start3A_757 = arith.constant 0 : i32
      %dma_start3A_758 = tpu.memref_slice %arg4[%add3A_756, %dma_start3A_757] : memref<327680x128xf32, #tpu.memory_space<hbm>> -> memref<64x128xf32, #tpu.memory_space<hbm>>
      %dma_start3A_759 = arith.constant 0 : i32
      %dma_start3A_760 = tpu.memref_slice %arg4[%add3A_756, %dma_start3A_759] : memref<327680x128xf32, #tpu.memory_space<hbm>> -> memref<64x128xf32, #tpu.memory_space<hbm>>
      tpu.enqueue_dma source(%arg12 : memref<64x128xf32, #tpu.memory_space<vmem>>) target(%dma_start3A_760 : memref<64x128xf32, #tpu.memory_space<hbm>>) target_semaphore(%arg32 : memref<!tpu.dma_semaphore, #tpu.memory_space<semaphore_mem>>)
      %add3A_761 = arith.constant 10 : i32
      %add3A_762 = arith.addi %add3A_747, %add3A_761 : i32
      %sub3A_763 = arith.constant 4 : i32
      %sub3A_764 = arith.subi %add3A_762, %sub3A_763 : i32
      %sub3A_765 = arith.constant 10 : i32
      %sub3A_766 = arith.subi %sub3A_764, %sub3A_765 : i32
      %mul3A_767 = arith.constant 64 : i32
      %mul3A_768 = arith.muli %sub3A_766, %mul3A_767 : i32
      %add3A_769 = arith.addi %mul3A_2, %mul3A_768 : i32
      %dma_wait3A_770 = arith.constant 0 : i32
      %dma_wait3A_771 = tpu.memref_slice %arg4[%add3A_769, %dma_wait3A_770] : memref<327680x128xf32, #tpu.memory_space<hbm>> -> memref<64x128xf32, #tpu.memory_space<hbm>>
      %dma_wait3A_772 = arith.constant 0 : i32
      %dma_wait3A_773 = tpu.memref_slice %arg4[%add3A_769, %dma_wait3A_772] : memref<327680x128xf32, #tpu.memory_space<hbm>> -> memref<64x128xf32, #tpu.memory_space<hbm>>
      tpu.wait_dma2 semaphore(%arg28 : memref<!tpu.dma_semaphore, #tpu.memory_space<semaphore_mem>>) src(%arg8 : memref<64x128xf32, #tpu.memory_space<vmem>>) dst(%dma_wait3A_773 : memref<64x128xf32, #tpu.memory_space<hbm>>)
      %dma_start3A_774 = arith.constant 0 : i32
      %dma_start3A_775 = tpu.memref_slice %arg5[%sub3A_764, %dma_start3A_774] : memref<160x64xi32, #tpu.memory_space<vmem>> -> memref<1x64xi32, #tpu.memory_space<vmem>>
      %dma_start3A_776 = tpu.memref_squeeze %dma_start3A_775 : memref<1x64xi32, #tpu.memory_space<vmem>> -> memref<64xi32, #tpu.memory_space<vmem>>
      %dma_start3A_777 = arith.constant 0 : i32
      %dma_start3A_778 = arith.constant 0 : i32
      %dma_start3A_779 = tpu.memref_slice %arg3[%dma_start3A_777, %dma_start3A_778] : memref<100000x128xf32, #tpu.memory_space<hbm>> -> memref<100000x128xf32, #tpu.memory_space<hbm>>
      tpu.enqueue_indirect_dma source(%dma_start3A_779 : memref<100000x128xf32, #tpu.memory_space<hbm>>) target(%arg8 : memref<64x128xf32, #tpu.memory_space<vmem>>) offsets(%dma_start3A_776 : memref<64xi32, #tpu.memory_space<vmem>>) semaphore(%arg18 : memref<!tpu.dma_semaphore, #tpu.memory_space<semaphore_mem>>)
      %mul3A_780 = arith.constant 10 : i32
      %mul3A_781 = arith.muli %mul3A_780, %scan3A_527 : i32
      %add3A_782 = arith.constant 7 : i32
      %add3A_783 = arith.addi %mul3A_781, %add3A_782 : i32
      %dma_wait3A_784 = arith.constant 0 : i32
      %dma_wait3A_785 = tpu.memref_slice %arg5[%add3A_783, %dma_wait3A_784] : memref<160x64xi32, #tpu.memory_space<vmem>> -> memref<1x64xi32, #tpu.memory_space<vmem>>
      %dma_wait3A_786 = tpu.memref_squeeze %dma_wait3A_785 : memref<1x64xi32, #tpu.memory_space<vmem>> -> memref<64xi32, #tpu.memory_space<vmem>>
      %dma_wait3A_787 = arith.constant 0 : i32
      %dma_wait3A_788 = arith.constant 0 : i32
      %dma_wait3A_789 = tpu.memref_slice %arg3[%dma_wait3A_787, %dma_wait3A_788] : memref<100000x128xf32, #tpu.memory_space<hbm>> -> memref<100000x128xf32, #tpu.memory_space<hbm>>
      tpu.wait_indirect_dma semaphore(%arg23 : memref<!tpu.dma_semaphore, #tpu.memory_space<semaphore_mem>>) src(%dma_wait3A_789 : memref<100000x128xf32, #tpu.memory_space<hbm>>) dst(%arg13 : memref<64x128xf32, #tpu.memory_space<vmem>>)
      %mul3A_790 = arith.constant 64 : i32
      %mul3A_791 = arith.muli %add3A_783, %mul3A_790 : i32
      %add3A_792 = arith.addi %mul3A_2, %mul3A_791 : i32
      %dma_start3A_793 = arith.constant 0 : i32
      %dma_start3A_794 = tpu.memref_slice %arg4[%add3A_792, %dma_start3A_793] : memref<327680x128xf32, #tpu.memory_space<hbm>> -> memref<64x128xf32, #tpu.memory_space<hbm>>
      %dma_start3A_795 = arith.constant 0 : i32
      %dma_start3A_796 = tpu.memref_slice %arg4[%add3A_792, %dma_start3A_795] : memref<327680x128xf32, #tpu.memory_space<hbm>> -> memref<64x128xf32, #tpu.memory_space<hbm>>
      tpu.enqueue_dma source(%arg13 : memref<64x128xf32, #tpu.memory_space<vmem>>) target(%dma_start3A_796 : memref<64x128xf32, #tpu.memory_space<hbm>>) target_semaphore(%arg33 : memref<!tpu.dma_semaphore, #tpu.memory_space<semaphore_mem>>)
      %add3A_797 = arith.constant 10 : i32
      %add3A_798 = arith.addi %add3A_783, %add3A_797 : i32
      %sub3A_799 = arith.constant 4 : i32
      %sub3A_800 = arith.subi %add3A_798, %sub3A_799 : i32
      %sub3A_801 = arith.constant 10 : i32
      %sub3A_802 = arith.subi %sub3A_800, %sub3A_801 : i32
      %mul3A_803 = arith.constant 64 : i32
      %mul3A_804 = arith.muli %sub3A_802, %mul3A_803 : i32
      %add3A_805 = arith.addi %mul3A_2, %mul3A_804 : i32
      %dma_wait3A_806 = arith.constant 0 : i32
      %dma_wait3A_807 = tpu.memref_slice %arg4[%add3A_805, %dma_wait3A_806] : memref<327680x128xf32, #tpu.memory_space<hbm>> -> memref<64x128xf32, #tpu.memory_space<hbm>>
      %dma_wait3A_808 = arith.constant 0 : i32
      %dma_wait3A_809 = tpu.memref_slice %arg4[%add3A_805, %dma_wait3A_808] : memref<327680x128xf32, #tpu.memory_space<hbm>> -> memref<64x128xf32, #tpu.memory_space<hbm>>
      tpu.wait_dma2 semaphore(%arg29 : memref<!tpu.dma_semaphore, #tpu.memory_space<semaphore_mem>>) src(%arg9 : memref<64x128xf32, #tpu.memory_space<vmem>>) dst(%dma_wait3A_809 : memref<64x128xf32, #tpu.memory_space<hbm>>)
      %dma_start3A_810 = arith.constant 0 : i32
      %dma_start3A_811 = tpu.memref_slice %arg5[%sub3A_800, %dma_start3A_810] : memref<160x64xi32, #tpu.memory_space<vmem>> -> memref<1x64xi32, #tpu.memory_space<vmem>>
      %dma_start3A_812 = tpu.memref_squeeze %dma_start3A_811 : memref<1x64xi32, #tpu.memory_space<vmem>> -> memref<64xi32, #tpu.memory_space<vmem>>
      %dma_start3A_813 = arith.constant 0 : i32
      %dma_start3A_814 = arith.constant 0 : i32
      %dma_start3A_815 = tpu.memref_slice %arg3[%dma_start3A_813, %dma_start3A_814] : memref<100000x128xf32, #tpu.memory_space<hbm>> -> memref<100000x128xf32, #tpu.memory_space<hbm>>
      tpu.enqueue_indirect_dma source(%dma_start3A_815 : memref<100000x128xf32, #tpu.memory_space<hbm>>) target(%arg9 : memref<64x128xf32, #tpu.memory_space<vmem>>) offsets(%dma_start3A_812 : memref<64xi32, #tpu.memory_space<vmem>>) semaphore(%arg19 : memref<!tpu.dma_semaphore, #tpu.memory_space<semaphore_mem>>)
      %mul3A_816 = arith.constant 10 : i32
      %mul3A_817 = arith.muli %mul3A_816, %scan3A_527 : i32
      %add3A_818 = arith.constant 8 : i32
      %add3A_819 = arith.addi %mul3A_817, %add3A_818 : i32
      %dma_wait3A_820 = arith.constant 0 : i32
      %dma_wait3A_821 = tpu.memref_slice %arg5[%add3A_819, %dma_wait3A_820] : memref<160x64xi32, #tpu.memory_space<vmem>> -> memref<1x64xi32, #tpu.memory_space<vmem>>
      %dma_wait3A_822 = tpu.memref_squeeze %dma_wait3A_821 : memref<1x64xi32, #tpu.memory_space<vmem>> -> memref<64xi32, #tpu.memory_space<vmem>>
      %dma_wait3A_823 = arith.constant 0 : i32
      %dma_wait3A_824 = arith.constant 0 : i32
      %dma_wait3A_825 = tpu.memref_slice %arg3[%dma_wait3A_823, %dma_wait3A_824] : memref<100000x128xf32, #tpu.memory_space<hbm>> -> memref<100000x128xf32, #tpu.memory_space<hbm>>
      tpu.wait_indirect_dma semaphore(%arg24 : memref<!tpu.dma_semaphore, #tpu.memory_space<semaphore_mem>>) src(%dma_wait3A_825 : memref<100000x128xf32, #tpu.memory_space<hbm>>) dst(%arg14 : memref<64x128xf32, #tpu.memory_space<vmem>>)
      %mul3A_826 = arith.constant 64 : i32
      %mul3A_827 = arith.muli %add3A_819, %mul3A_826 : i32
      %add3A_828 = arith.addi %mul3A_2, %mul3A_827 : i32
      %dma_start3A_829 = arith.constant 0 : i32
      %dma_start3A_830 = tpu.memref_slice %arg4[%add3A_828, %dma_start3A_829] : memref<327680x128xf32, #tpu.memory_space<hbm>> -> memref<64x128xf32, #tpu.memory_space<hbm>>
      %dma_start3A_831 = arith.constant 0 : i32
      %dma_start3A_832 = tpu.memref_slice %arg4[%add3A_828, %dma_start3A_831] : memref<327680x128xf32, #tpu.memory_space<hbm>> -> memref<64x128xf32, #tpu.memory_space<hbm>>
      tpu.enqueue_dma source(%arg14 : memref<64x128xf32, #tpu.memory_space<vmem>>) target(%dma_start3A_832 : memref<64x128xf32, #tpu.memory_space<hbm>>) target_semaphore(%arg34 : memref<!tpu.dma_semaphore, #tpu.memory_space<semaphore_mem>>)
      %add3A_833 = arith.constant 10 : i32
      %add3A_834 = arith.addi %add3A_819, %add3A_833 : i32
      %sub3A_835 = arith.constant 4 : i32
      %sub3A_836 = arith.subi %add3A_834, %sub3A_835 : i32
      %sub3A_837 = arith.constant 10 : i32
      %sub3A_838 = arith.subi %sub3A_836, %sub3A_837 : i32
      %mul3A_839 = arith.constant 64 : i32
      %mul3A_840 = arith.muli %sub3A_838, %mul3A_839 : i32
      %add3A_841 = arith.addi %mul3A_2, %mul3A_840 : i32
      %dma_wait3A_842 = arith.constant 0 : i32
      %dma_wait3A_843 = tpu.memref_slice %arg4[%add3A_841, %dma_wait3A_842] : memref<327680x128xf32, #tpu.memory_space<hbm>> -> memref<64x128xf32, #tpu.memory_space<hbm>>
      %dma_wait3A_844 = arith.constant 0 : i32
      %dma_wait3A_845 = tpu.memref_slice %arg4[%add3A_841, %dma_wait3A_844] : memref<327680x128xf32, #tpu.memory_space<hbm>> -> memref<64x128xf32, #tpu.memory_space<hbm>>
      tpu.wait_dma2 semaphore(%arg30 : memref<!tpu.dma_semaphore, #tpu.memory_space<semaphore_mem>>) src(%arg10 : memref<64x128xf32, #tpu.memory_space<vmem>>) dst(%dma_wait3A_845 : memref<64x128xf32, #tpu.memory_space<hbm>>)
      %dma_start3A_846 = arith.constant 0 : i32
      %dma_start3A_847 = tpu.memref_slice %arg5[%sub3A_836, %dma_start3A_846] : memref<160x64xi32, #tpu.memory_space<vmem>> -> memref<1x64xi32, #tpu.memory_space<vmem>>
      %dma_start3A_848 = tpu.memref_squeeze %dma_start3A_847 : memref<1x64xi32, #tpu.memory_space<vmem>> -> memref<64xi32, #tpu.memory_space<vmem>>
      %dma_start3A_849 = arith.constant 0 : i32
      %dma_start3A_850 = arith.constant 0 : i32
      %dma_start3A_851 = tpu.memref_slice %arg3[%dma_start3A_849, %dma_start3A_850] : memref<100000x128xf32, #tpu.memory_space<hbm>> -> memref<100000x128xf32, #tpu.memory_space<hbm>>
      tpu.enqueue_indirect_dma source(%dma_start3A_851 : memref<100000x128xf32, #tpu.memory_space<hbm>>) target(%arg10 : memref<64x128xf32, #tpu.memory_space<vmem>>) offsets(%dma_start3A_848 : memref<64xi32, #tpu.memory_space<vmem>>) semaphore(%arg20 : memref<!tpu.dma_semaphore, #tpu.memory_space<semaphore_mem>>)
      %mul3A_852 = arith.constant 10 : i32
      %mul3A_853 = arith.muli %mul3A_852, %scan3A_527 : i32
      %add3A_854 = arith.constant 9 : i32
      %add3A_855 = arith.addi %mul3A_853, %add3A_854 : i32
      %dma_wait3A_856 = arith.constant 0 : i32
      %dma_wait3A_857 = tpu.memref_slice %arg5[%add3A_855, %dma_wait3A_856] : memref<160x64xi32, #tpu.memory_space<vmem>> -> memref<1x64xi32, #tpu.memory_space<vmem>>
      %dma_wait3A_858 = tpu.memref_squeeze %dma_wait3A_857 : memref<1x64xi32, #tpu.memory_space<vmem>> -> memref<64xi32, #tpu.memory_space<vmem>>
      %dma_wait3A_859 = arith.constant 0 : i32
      %dma_wait3A_860 = arith.constant 0 : i32
      %dma_wait3A_861 = tpu.memref_slice %arg3[%dma_wait3A_859, %dma_wait3A_860] : memref<100000x128xf32, #tpu.memory_space<hbm>> -> memref<100000x128xf32, #tpu.memory_space<hbm>>
      tpu.wait_indirect_dma semaphore(%arg25 : memref<!tpu.dma_semaphore, #tpu.memory_space<semaphore_mem>>) src(%dma_wait3A_861 : memref<100000x128xf32, #tpu.memory_space<hbm>>) dst(%arg15 : memref<64x128xf32, #tpu.memory_space<vmem>>)
      %mul3A_862 = arith.constant 64 : i32
      %mul3A_863 = arith.muli %add3A_855, %mul3A_862 : i32
      %add3A_864 = arith.addi %mul3A_2, %mul3A_863 : i32
      %dma_start3A_865 = arith.constant 0 : i32
      %dma_start3A_866 = tpu.memref_slice %arg4[%add3A_864, %dma_start3A_865] : memref<327680x128xf32, #tpu.memory_space<hbm>> -> memref<64x128xf32, #tpu.memory_space<hbm>>
      %dma_start3A_867 = arith.constant 0 : i32
      %dma_start3A_868 = tpu.memref_slice %arg4[%add3A_864, %dma_start3A_867] : memref<327680x128xf32, #tpu.memory_space<hbm>> -> memref<64x128xf32, #tpu.memory_space<hbm>>
      tpu.enqueue_dma source(%arg15 : memref<64x128xf32, #tpu.memory_space<vmem>>) target(%dma_start3A_868 : memref<64x128xf32, #tpu.memory_space<hbm>>) target_semaphore(%arg35 : memref<!tpu.dma_semaphore, #tpu.memory_space<semaphore_mem>>)
      %add3A_869 = arith.constant 10 : i32
      %add3A_870 = arith.addi %add3A_855, %add3A_869 : i32
      %sub3A_871 = arith.constant 4 : i32
      %sub3A_872 = arith.subi %add3A_870, %sub3A_871 : i32
      %sub3A_873 = arith.constant 10 : i32
      %sub3A_874 = arith.subi %sub3A_872, %sub3A_873 : i32
      %mul3A_875 = arith.constant 64 : i32
      %mul3A_876 = arith.muli %sub3A_874, %mul3A_875 : i32
      %add3A_877 = arith.addi %mul3A_2, %mul3A_876 : i32
      %dma_wait3A_878 = arith.constant 0 : i32
      %dma_wait3A_879 = tpu.memref_slice %arg4[%add3A_877, %dma_wait3A_878] : memref<327680x128xf32, #tpu.memory_space<hbm>> -> memref<64x128xf32, #tpu.memory_space<hbm>>
      %dma_wait3A_880 = arith.constant 0 : i32
      %dma_wait3A_881 = tpu.memref_slice %arg4[%add3A_877, %dma_wait3A_880] : memref<327680x128xf32, #tpu.memory_space<hbm>> -> memref<64x128xf32, #tpu.memory_space<hbm>>
      tpu.wait_dma2 semaphore(%arg31 : memref<!tpu.dma_semaphore, #tpu.memory_space<semaphore_mem>>) src(%arg11 : memref<64x128xf32, #tpu.memory_space<vmem>>) dst(%dma_wait3A_881 : memref<64x128xf32, #tpu.memory_space<hbm>>)
      %dma_start3A_882 = arith.constant 0 : i32
      %dma_start3A_883 = tpu.memref_slice %arg5[%sub3A_872, %dma_start3A_882] : memref<160x64xi32, #tpu.memory_space<vmem>> -> memref<1x64xi32, #tpu.memory_space<vmem>>
      %dma_start3A_884 = tpu.memref_squeeze %dma_start3A_883 : memref<1x64xi32, #tpu.memory_space<vmem>> -> memref<64xi32, #tpu.memory_space<vmem>>
      %dma_start3A_885 = arith.constant 0 : i32
      %dma_start3A_886 = arith.constant 0 : i32
      %dma_start3A_887 = tpu.memref_slice %arg3[%dma_start3A_885, %dma_start3A_886] : memref<100000x128xf32, #tpu.memory_space<hbm>> -> memref<100000x128xf32, #tpu.memory_space<hbm>>
      tpu.enqueue_indirect_dma source(%dma_start3A_887 : memref<100000x128xf32, #tpu.memory_space<hbm>>) target(%arg11 : memref<64x128xf32, #tpu.memory_space<vmem>>) offsets(%dma_start3A_884 : memref<64xi32, #tpu.memory_space<vmem>>) semaphore(%arg21 : memref<!tpu.dma_semaphore, #tpu.memory_space<semaphore_mem>>)
      %scan3A_888 = arith.constant 0 : i32
      scf.yield %scan3A_888 : i32
    }
    %scan3A_284 = arith.constant 14 : i32
    %dma_wait3A_285 = arith.constant 150 : i32
    %dma_wait3A_286 = arith.constant 0 : i32
    %dma_wait3A_287 = tpu.memref_slice %arg5[%dma_wait3A_285, %dma_wait3A_286] : memref<160x64xi32, #tpu.memory_space<vmem>> -> memref<1x64xi32, #tpu.memory_space<vmem>>
    %dma_wait3A_288 = tpu.memref_squeeze %dma_wait3A_287 : memref<1x64xi32, #tpu.memory_space<vmem>> -> memref<64xi32, #tpu.memory_space<vmem>>
    %dma_wait3A_289 = arith.constant 0 : i32
    %dma_wait3A_290 = arith.constant 0 : i32
    %dma_wait3A_291 = tpu.memref_slice %arg3[%dma_wait3A_289, %dma_wait3A_290] : memref<100000x128xf32, #tpu.memory_space<hbm>> -> memref<100000x128xf32, #tpu.memory_space<hbm>>
    tpu.wait_indirect_dma semaphore(%arg16 : memref<!tpu.dma_semaphore, #tpu.memory_space<semaphore_mem>>) src(%dma_wait3A_291 : memref<100000x128xf32, #tpu.memory_space<hbm>>) dst(%arg6 : memref<64x128xf32, #tpu.memory_space<vmem>>)
    %add3A_292 = arith.constant 9600 : i32
    %add3A_293 = arith.addi %mul3A_2, %add3A_292 : i32
    %dma_start3A_294 = arith.constant 0 : i32
    %dma_start3A_295 = tpu.memref_slice %arg4[%add3A_293, %dma_start3A_294] : memref<327680x128xf32, #tpu.memory_space<hbm>> -> memref<64x128xf32, #tpu.memory_space<hbm>>
    %dma_start3A_296 = arith.constant 0 : i32
    %dma_start3A_297 = tpu.memref_slice %arg4[%add3A_293, %dma_start3A_296] : memref<327680x128xf32, #tpu.memory_space<hbm>> -> memref<64x128xf32, #tpu.memory_space<hbm>>
    tpu.enqueue_dma source(%arg6 : memref<64x128xf32, #tpu.memory_space<vmem>>) target(%dma_start3A_297 : memref<64x128xf32, #tpu.memory_space<hbm>>) target_semaphore(%arg26 : memref<!tpu.dma_semaphore, #tpu.memory_space<semaphore_mem>>)
    %add3A_298 = arith.constant 9344 : i32
    %add3A_299 = arith.addi %mul3A_2, %add3A_298 : i32
    %dma_wait3A_300 = arith.constant 0 : i32
    %dma_wait3A_301 = tpu.memref_slice %arg4[%add3A_299, %dma_wait3A_300] : memref<327680x128xf32, #tpu.memory_space<hbm>> -> memref<64x128xf32, #tpu.memory_space<hbm>>
    %dma_wait3A_302 = arith.constant 0 : i32
    %dma_wait3A_303 = tpu.memref_slice %arg4[%add3A_299, %dma_wait3A_302] : memref<327680x128xf32, #tpu.memory_space<hbm>> -> memref<64x128xf32, #tpu.memory_space<hbm>>
    tpu.wait_dma2 semaphore(%arg32 : memref<!tpu.dma_semaphore, #tpu.memory_space<semaphore_mem>>) src(%arg12 : memref<64x128xf32, #tpu.memory_space<vmem>>) dst(%dma_wait3A_303 : memref<64x128xf32, #tpu.memory_space<hbm>>)
    %dma_start3A_304 = arith.constant 156 : i32
    %dma_start3A_305 = arith.constant 0 : i32
    %dma_start3A_306 = tpu.memref_slice %arg5[%dma_start3A_304, %dma_start3A_305] : memref<160x64xi32, #tpu.memory_space<vmem>> -> memref<1x64xi32, #tpu.memory_space<vmem>>
    %dma_start3A_307 = tpu.memref_squeeze %dma_start3A_306 : memref<1x64xi32, #tpu.memory_space<vmem>> -> memref<64xi32, #tpu.memory_space<vmem>>
    %dma_start3A_308 = arith.constant 0 : i32
    %dma_start3A_309 = arith.constant 0 : i32
    %dma_start3A_310 = tpu.memref_slice %arg3[%dma_start3A_308, %dma_start3A_309] : memref<100000x128xf32, #tpu.memory_space<hbm>> -> memref<100000x128xf32, #tpu.memory_space<hbm>>
    tpu.enqueue_indirect_dma source(%dma_start3A_310 : memref<100000x128xf32, #tpu.memory_space<hbm>>) target(%arg12 : memref<64x128xf32, #tpu.memory_space<vmem>>) offsets(%dma_start3A_307 : memref<64xi32, #tpu.memory_space<vmem>>) semaphore(%arg22 : memref<!tpu.dma_semaphore, #tpu.memory_space<semaphore_mem>>)
    %dma_wait3A_311 = arith.constant 151 : i32
    %dma_wait3A_312 = arith.constant 0 : i32
    %dma_wait3A_313 = tpu.memref_slice %arg5[%dma_wait3A_311, %dma_wait3A_312] : memref<160x64xi32, #tpu.memory_space<vmem>> -> memref<1x64xi32, #tpu.memory_space<vmem>>
    %dma_wait3A_314 = tpu.memref_squeeze %dma_wait3A_313 : memref<1x64xi32, #tpu.memory_space<vmem>> -> memref<64xi32, #tpu.memory_space<vmem>>
    %dma_wait3A_315 = arith.constant 0 : i32
    %dma_wait3A_316 = arith.constant 0 : i32
    %dma_wait3A_317 = tpu.memref_slice %arg3[%dma_wait3A_315, %dma_wait3A_316] : memref<100000x128xf32, #tpu.memory_space<hbm>> -> memref<100000x128xf32, #tpu.memory_space<hbm>>
    tpu.wait_indirect_dma semaphore(%arg17 : memref<!tpu.dma_semaphore, #tpu.memory_space<semaphore_mem>>) src(%dma_wait3A_317 : memref<100000x128xf32, #tpu.memory_space<hbm>>) dst(%arg7 : memref<64x128xf32, #tpu.memory_space<vmem>>)
    %add3A_318 = arith.constant 9664 : i32
    %add3A_319 = arith.addi %mul3A_2, %add3A_318 : i32
    %dma_start3A_320 = arith.constant 0 : i32
    %dma_start3A_321 = tpu.memref_slice %arg4[%add3A_319, %dma_start3A_320] : memref<327680x128xf32, #tpu.memory_space<hbm>> -> memref<64x128xf32, #tpu.memory_space<hbm>>
    %dma_start3A_322 = arith.constant 0 : i32
    %dma_start3A_323 = tpu.memref_slice %arg4[%add3A_319, %dma_start3A_322] : memref<327680x128xf32, #tpu.memory_space<hbm>> -> memref<64x128xf32, #tpu.memory_space<hbm>>
    tpu.enqueue_dma source(%arg7 : memref<64x128xf32, #tpu.memory_space<vmem>>) target(%dma_start3A_323 : memref<64x128xf32, #tpu.memory_space<hbm>>) target_semaphore(%arg27 : memref<!tpu.dma_semaphore, #tpu.memory_space<semaphore_mem>>)
    %add3A_324 = arith.constant 9408 : i32
    %add3A_325 = arith.addi %mul3A_2, %add3A_324 : i32
    %dma_wait3A_326 = arith.constant 0 : i32
    %dma_wait3A_327 = tpu.memref_slice %arg4[%add3A_325, %dma_wait3A_326] : memref<327680x128xf32, #tpu.memory_space<hbm>> -> memref<64x128xf32, #tpu.memory_space<hbm>>
    %dma_wait3A_328 = arith.constant 0 : i32
    %dma_wait3A_329 = tpu.memref_slice %arg4[%add3A_325, %dma_wait3A_328] : memref<327680x128xf32, #tpu.memory_space<hbm>> -> memref<64x128xf32, #tpu.memory_space<hbm>>
    tpu.wait_dma2 semaphore(%arg33 : memref<!tpu.dma_semaphore, #tpu.memory_space<semaphore_mem>>) src(%arg13 : memref<64x128xf32, #tpu.memory_space<vmem>>) dst(%dma_wait3A_329 : memref<64x128xf32, #tpu.memory_space<hbm>>)
    %dma_start3A_330 = arith.constant 157 : i32
    %dma_start3A_331 = arith.constant 0 : i32
    %dma_start3A_332 = tpu.memref_slice %arg5[%dma_start3A_330, %dma_start3A_331] : memref<160x64xi32, #tpu.memory_space<vmem>> -> memref<1x64xi32, #tpu.memory_space<vmem>>
    %dma_start3A_333 = tpu.memref_squeeze %dma_start3A_332 : memref<1x64xi32, #tpu.memory_space<vmem>> -> memref<64xi32, #tpu.memory_space<vmem>>
    %dma_start3A_334 = arith.constant 0 : i32
    %dma_start3A_335 = arith.constant 0 : i32
    %dma_start3A_336 = tpu.memref_slice %arg3[%dma_start3A_334, %dma_start3A_335] : memref<100000x128xf32, #tpu.memory_space<hbm>> -> memref<100000x128xf32, #tpu.memory_space<hbm>>
    tpu.enqueue_indirect_dma source(%dma_start3A_336 : memref<100000x128xf32, #tpu.memory_space<hbm>>) target(%arg13 : memref<64x128xf32, #tpu.memory_space<vmem>>) offsets(%dma_start3A_333 : memref<64xi32, #tpu.memory_space<vmem>>) semaphore(%arg23 : memref<!tpu.dma_semaphore, #tpu.memory_space<semaphore_mem>>)
    %dma_wait3A_337 = arith.constant 152 : i32
    %dma_wait3A_338 = arith.constant 0 : i32
    %dma_wait3A_339 = tpu.memref_slice %arg5[%dma_wait3A_337, %dma_wait3A_338] : memref<160x64xi32, #tpu.memory_space<vmem>> -> memref<1x64xi32, #tpu.memory_space<vmem>>
    %dma_wait3A_340 = tpu.memref_squeeze %dma_wait3A_339 : memref<1x64xi32, #tpu.memory_space<vmem>> -> memref<64xi32, #tpu.memory_space<vmem>>
    %dma_wait3A_341 = arith.constant 0 : i32
    %dma_wait3A_342 = arith.constant 0 : i32
    %dma_wait3A_343 = tpu.memref_slice %arg3[%dma_wait3A_341, %dma_wait3A_342] : memref<100000x128xf32, #tpu.memory_space<hbm>> -> memref<100000x128xf32, #tpu.memory_space<hbm>>
    tpu.wait_indirect_dma semaphore(%arg18 : memref<!tpu.dma_semaphore, #tpu.memory_space<semaphore_mem>>) src(%dma_wait3A_343 : memref<100000x128xf32, #tpu.memory_space<hbm>>) dst(%arg8 : memref<64x128xf32, #tpu.memory_space<vmem>>)
    %add3A_344 = arith.constant 9728 : i32
    %add3A_345 = arith.addi %mul3A_2, %add3A_344 : i32
    %dma_start3A_346 = arith.constant 0 : i32
    %dma_start3A_347 = tpu.memref_slice %arg4[%add3A_345, %dma_start3A_346] : memref<327680x128xf32, #tpu.memory_space<hbm>> -> memref<64x128xf32, #tpu.memory_space<hbm>>
    %dma_start3A_348 = arith.constant 0 : i32
    %dma_start3A_349 = tpu.memref_slice %arg4[%add3A_345, %dma_start3A_348] : memref<327680x128xf32, #tpu.memory_space<hbm>> -> memref<64x128xf32, #tpu.memory_space<hbm>>
    tpu.enqueue_dma source(%arg8 : memref<64x128xf32, #tpu.memory_space<vmem>>) target(%dma_start3A_349 : memref<64x128xf32, #tpu.memory_space<hbm>>) target_semaphore(%arg28 : memref<!tpu.dma_semaphore, #tpu.memory_space<semaphore_mem>>)
    %add3A_350 = arith.constant 9472 : i32
    %add3A_351 = arith.addi %mul3A_2, %add3A_350 : i32
    %dma_wait3A_352 = arith.constant 0 : i32
    %dma_wait3A_353 = tpu.memref_slice %arg4[%add3A_351, %dma_wait3A_352] : memref<327680x128xf32, #tpu.memory_space<hbm>> -> memref<64x128xf32, #tpu.memory_space<hbm>>
    %dma_wait3A_354 = arith.constant 0 : i32
    %dma_wait3A_355 = tpu.memref_slice %arg4[%add3A_351, %dma_wait3A_354] : memref<327680x128xf32, #tpu.memory_space<hbm>> -> memref<64x128xf32, #tpu.memory_space<hbm>>
    tpu.wait_dma2 semaphore(%arg34 : memref<!tpu.dma_semaphore, #tpu.memory_space<semaphore_mem>>) src(%arg14 : memref<64x128xf32, #tpu.memory_space<vmem>>) dst(%dma_wait3A_355 : memref<64x128xf32, #tpu.memory_space<hbm>>)
    %dma_start3A_356 = arith.constant 158 : i32
    %dma_start3A_357 = arith.constant 0 : i32
    %dma_start3A_358 = tpu.memref_slice %arg5[%dma_start3A_356, %dma_start3A_357] : memref<160x64xi32, #tpu.memory_space<vmem>> -> memref<1x64xi32, #tpu.memory_space<vmem>>
    %dma_start3A_359 = tpu.memref_squeeze %dma_start3A_358 : memref<1x64xi32, #tpu.memory_space<vmem>> -> memref<64xi32, #tpu.memory_space<vmem>>
    %dma_start3A_360 = arith.constant 0 : i32
    %dma_start3A_361 = arith.constant 0 : i32
    %dma_start3A_362 = tpu.memref_slice %arg3[%dma_start3A_360, %dma_start3A_361] : memref<100000x128xf32, #tpu.memory_space<hbm>> -> memref<100000x128xf32, #tpu.memory_space<hbm>>
    tpu.enqueue_indirect_dma source(%dma_start3A_362 : memref<100000x128xf32, #tpu.memory_space<hbm>>) target(%arg14 : memref<64x128xf32, #tpu.memory_space<vmem>>) offsets(%dma_start3A_359 : memref<64xi32, #tpu.memory_space<vmem>>) semaphore(%arg24 : memref<!tpu.dma_semaphore, #tpu.memory_space<semaphore_mem>>)
    %dma_wait3A_363 = arith.constant 153 : i32
    %dma_wait3A_364 = arith.constant 0 : i32
    %dma_wait3A_365 = tpu.memref_slice %arg5[%dma_wait3A_363, %dma_wait3A_364] : memref<160x64xi32, #tpu.memory_space<vmem>> -> memref<1x64xi32, #tpu.memory_space<vmem>>
    %dma_wait3A_366 = tpu.memref_squeeze %dma_wait3A_365 : memref<1x64xi32, #tpu.memory_space<vmem>> -> memref<64xi32, #tpu.memory_space<vmem>>
    %dma_wait3A_367 = arith.constant 0 : i32
    %dma_wait3A_368 = arith.constant 0 : i32
    %dma_wait3A_369 = tpu.memref_slice %arg3[%dma_wait3A_367, %dma_wait3A_368] : memref<100000x128xf32, #tpu.memory_space<hbm>> -> memref<100000x128xf32, #tpu.memory_space<hbm>>
    tpu.wait_indirect_dma semaphore(%arg19 : memref<!tpu.dma_semaphore, #tpu.memory_space<semaphore_mem>>) src(%dma_wait3A_369 : memref<100000x128xf32, #tpu.memory_space<hbm>>) dst(%arg9 : memref<64x128xf32, #tpu.memory_space<vmem>>)
    %add3A_370 = arith.constant 9792 : i32
    %add3A_371 = arith.addi %mul3A_2, %add3A_370 : i32
    %dma_start3A_372 = arith.constant 0 : i32
    %dma_start3A_373 = tpu.memref_slice %arg4[%add3A_371, %dma_start3A_372] : memref<327680x128xf32, #tpu.memory_space<hbm>> -> memref<64x128xf32, #tpu.memory_space<hbm>>
    %dma_start3A_374 = arith.constant 0 : i32
    %dma_start3A_375 = tpu.memref_slice %arg4[%add3A_371, %dma_start3A_374] : memref<327680x128xf32, #tpu.memory_space<hbm>> -> memref<64x128xf32, #tpu.memory_space<hbm>>
    tpu.enqueue_dma source(%arg9 : memref<64x128xf32, #tpu.memory_space<vmem>>) target(%dma_start3A_375 : memref<64x128xf32, #tpu.memory_space<hbm>>) target_semaphore(%arg29 : memref<!tpu.dma_semaphore, #tpu.memory_space<semaphore_mem>>)
    %add3A_376 = arith.constant 9536 : i32
    %add3A_377 = arith.addi %mul3A_2, %add3A_376 : i32
    %dma_wait3A_378 = arith.constant 0 : i32
    %dma_wait3A_379 = tpu.memref_slice %arg4[%add3A_377, %dma_wait3A_378] : memref<327680x128xf32, #tpu.memory_space<hbm>> -> memref<64x128xf32, #tpu.memory_space<hbm>>
    %dma_wait3A_380 = arith.constant 0 : i32
    %dma_wait3A_381 = tpu.memref_slice %arg4[%add3A_377, %dma_wait3A_380] : memref<327680x128xf32, #tpu.memory_space<hbm>> -> memref<64x128xf32, #tpu.memory_space<hbm>>
    tpu.wait_dma2 semaphore(%arg35 : memref<!tpu.dma_semaphore, #tpu.memory_space<semaphore_mem>>) src(%arg15 : memref<64x128xf32, #tpu.memory_space<vmem>>) dst(%dma_wait3A_381 : memref<64x128xf32, #tpu.memory_space<hbm>>)
    %dma_start3A_382 = arith.constant 159 : i32
    %dma_start3A_383 = arith.constant 0 : i32
    %dma_start3A_384 = tpu.memref_slice %arg5[%dma_start3A_382, %dma_start3A_383] : memref<160x64xi32, #tpu.memory_space<vmem>> -> memref<1x64xi32, #tpu.memory_space<vmem>>
    %dma_start3A_385 = tpu.memref_squeeze %dma_start3A_384 : memref<1x64xi32, #tpu.memory_space<vmem>> -> memref<64xi32, #tpu.memory_space<vmem>>
    %dma_start3A_386 = arith.constant 0 : i32
    %dma_start3A_387 = arith.constant 0 : i32
    %dma_start3A_388 = tpu.memref_slice %arg3[%dma_start3A_386, %dma_start3A_387] : memref<100000x128xf32, #tpu.memory_space<hbm>> -> memref<100000x128xf32, #tpu.memory_space<hbm>>
    tpu.enqueue_indirect_dma source(%dma_start3A_388 : memref<100000x128xf32, #tpu.memory_space<hbm>>) target(%arg15 : memref<64x128xf32, #tpu.memory_space<vmem>>) offsets(%dma_start3A_385 : memref<64xi32, #tpu.memory_space<vmem>>) semaphore(%arg25 : memref<!tpu.dma_semaphore, #tpu.memory_space<semaphore_mem>>)
    %dma_wait3A_389 = arith.constant 154 : i32
    %dma_wait3A_390 = arith.constant 0 : i32
    %dma_wait3A_391 = tpu.memref_slice %arg5[%dma_wait3A_389, %dma_wait3A_390] : memref<160x64xi32, #tpu.memory_space<vmem>> -> memref<1x64xi32, #tpu.memory_space<vmem>>
    %dma_wait3A_392 = tpu.memref_squeeze %dma_wait3A_391 : memref<1x64xi32, #tpu.memory_space<vmem>> -> memref<64xi32, #tpu.memory_space<vmem>>
    %dma_wait3A_393 = arith.constant 0 : i32
    %dma_wait3A_394 = arith.constant 0 : i32
    %dma_wait3A_395 = tpu.memref_slice %arg3[%dma_wait3A_393, %dma_wait3A_394] : memref<100000x128xf32, #tpu.memory_space<hbm>> -> memref<100000x128xf32, #tpu.memory_space<hbm>>
    tpu.wait_indirect_dma semaphore(%arg20 : memref<!tpu.dma_semaphore, #tpu.memory_space<semaphore_mem>>) src(%dma_wait3A_395 : memref<100000x128xf32, #tpu.memory_space<hbm>>) dst(%arg10 : memref<64x128xf32, #tpu.memory_space<vmem>>)
    %add3A_396 = arith.constant 9856 : i32
    %add3A_397 = arith.addi %mul3A_2, %add3A_396 : i32
    %dma_start3A_398 = arith.constant 0 : i32
    %dma_start3A_399 = tpu.memref_slice %arg4[%add3A_397, %dma_start3A_398] : memref<327680x128xf32, #tpu.memory_space<hbm>> -> memref<64x128xf32, #tpu.memory_space<hbm>>
    %dma_start3A_400 = arith.constant 0 : i32
    %dma_start3A_401 = tpu.memref_slice %arg4[%add3A_397, %dma_start3A_400] : memref<327680x128xf32, #tpu.memory_space<hbm>> -> memref<64x128xf32, #tpu.memory_space<hbm>>
    tpu.enqueue_dma source(%arg10 : memref<64x128xf32, #tpu.memory_space<vmem>>) target(%dma_start3A_401 : memref<64x128xf32, #tpu.memory_space<hbm>>) target_semaphore(%arg30 : memref<!tpu.dma_semaphore, #tpu.memory_space<semaphore_mem>>)
    %dma_wait3A_402 = arith.constant 155 : i32
    %dma_wait3A_403 = arith.constant 0 : i32
    %dma_wait3A_404 = tpu.memref_slice %arg5[%dma_wait3A_402, %dma_wait3A_403] : memref<160x64xi32, #tpu.memory_space<vmem>> -> memref<1x64xi32, #tpu.memory_space<vmem>>
    %dma_wait3A_405 = tpu.memref_squeeze %dma_wait3A_404 : memref<1x64xi32, #tpu.memory_space<vmem>> -> memref<64xi32, #tpu.memory_space<vmem>>
    %dma_wait3A_406 = arith.constant 0 : i32
    %dma_wait3A_407 = arith.constant 0 : i32
    %dma_wait3A_408 = tpu.memref_slice %arg3[%dma_wait3A_406, %dma_wait3A_407] : memref<100000x128xf32, #tpu.memory_space<hbm>> -> memref<100000x128xf32, #tpu.memory_space<hbm>>
    tpu.wait_indirect_dma semaphore(%arg21 : memref<!tpu.dma_semaphore, #tpu.memory_space<semaphore_mem>>) src(%dma_wait3A_408 : memref<100000x128xf32, #tpu.memory_space<hbm>>) dst(%arg11 : memref<64x128xf32, #tpu.memory_space<vmem>>)
    %add3A_409 = arith.constant 9920 : i32
    %add3A_410 = arith.addi %mul3A_2, %add3A_409 : i32
    %dma_start3A_411 = arith.constant 0 : i32
    %dma_start3A_412 = tpu.memref_slice %arg4[%add3A_410, %dma_start3A_411] : memref<327680x128xf32, #tpu.memory_space<hbm>> -> memref<64x128xf32, #tpu.memory_space<hbm>>
    %dma_start3A_413 = arith.constant 0 : i32
    %dma_start3A_414 = tpu.memref_slice %arg4[%add3A_410, %dma_start3A_413] : memref<327680x128xf32, #tpu.memory_space<hbm>> -> memref<64x128xf32, #tpu.memory_space<hbm>>
    tpu.enqueue_dma source(%arg11 : memref<64x128xf32, #tpu.memory_space<vmem>>) target(%dma_start3A_414 : memref<64x128xf32, #tpu.memory_space<hbm>>) target_semaphore(%arg31 : memref<!tpu.dma_semaphore, #tpu.memory_space<semaphore_mem>>)
    %dma_wait3A_415 = arith.constant 156 : i32
    %dma_wait3A_416 = arith.constant 0 : i32
    %dma_wait3A_417 = tpu.memref_slice %arg5[%dma_wait3A_415, %dma_wait3A_416] : memref<160x64xi32, #tpu.memory_space<vmem>> -> memref<1x64xi32, #tpu.memory_space<vmem>>
    %dma_wait3A_418 = tpu.memref_squeeze %dma_wait3A_417 : memref<1x64xi32, #tpu.memory_space<vmem>> -> memref<64xi32, #tpu.memory_space<vmem>>
    %dma_wait3A_419 = arith.constant 0 : i32
    %dma_wait3A_420 = arith.constant 0 : i32
    %dma_wait3A_421 = tpu.memref_slice %arg3[%dma_wait3A_419, %dma_wait3A_420] : memref<100000x128xf32, #tpu.memory_space<hbm>> -> memref<100000x128xf32, #tpu.memory_space<hbm>>
    tpu.wait_indirect_dma semaphore(%arg22 : memref<!tpu.dma_semaphore, #tpu.memory_space<semaphore_mem>>) src(%dma_wait3A_421 : memref<100000x128xf32, #tpu.memory_space<hbm>>) dst(%arg12 : memref<64x128xf32, #tpu.memory_space<vmem>>)
    %add3A_422 = arith.constant 9984 : i32
    %add3A_423 = arith.addi %mul3A_2, %add3A_422 : i32
    %dma_start3A_424 = arith.constant 0 : i32
    %dma_start3A_425 = tpu.memref_slice %arg4[%add3A_423, %dma_start3A_424] : memref<327680x128xf32, #tpu.memory_space<hbm>> -> memref<64x128xf32, #tpu.memory_space<hbm>>
    %dma_start3A_426 = arith.constant 0 : i32
    %dma_start3A_427 = tpu.memref_slice %arg4[%add3A_423, %dma_start3A_426] : memref<327680x128xf32, #tpu.memory_space<hbm>> -> memref<64x128xf32, #tpu.memory_space<hbm>>
    tpu.enqueue_dma source(%arg12 : memref<64x128xf32, #tpu.memory_space<vmem>>) target(%dma_start3A_427 : memref<64x128xf32, #tpu.memory_space<hbm>>) target_semaphore(%arg32 : memref<!tpu.dma_semaphore, #tpu.memory_space<semaphore_mem>>)
    %dma_wait3A_428 = arith.constant 157 : i32
    %dma_wait3A_429 = arith.constant 0 : i32
    %dma_wait3A_430 = tpu.memref_slice %arg5[%dma_wait3A_428, %dma_wait3A_429] : memref<160x64xi32, #tpu.memory_space<vmem>> -> memref<1x64xi32, #tpu.memory_space<vmem>>
    %dma_wait3A_431 = tpu.memref_squeeze %dma_wait3A_430 : memref<1x64xi32, #tpu.memory_space<vmem>> -> memref<64xi32, #tpu.memory_space<vmem>>
    %dma_wait3A_432 = arith.constant 0 : i32
    %dma_wait3A_433 = arith.constant 0 : i32
    %dma_wait3A_434 = tpu.memref_slice %arg3[%dma_wait3A_432, %dma_wait3A_433] : memref<100000x128xf32, #tpu.memory_space<hbm>> -> memref<100000x128xf32, #tpu.memory_space<hbm>>
    tpu.wait_indirect_dma semaphore(%arg23 : memref<!tpu.dma_semaphore, #tpu.memory_space<semaphore_mem>>) src(%dma_wait3A_434 : memref<100000x128xf32, #tpu.memory_space<hbm>>) dst(%arg13 : memref<64x128xf32, #tpu.memory_space<vmem>>)
    %add3A_435 = arith.constant 10048 : i32
    %add3A_436 = arith.addi %mul3A_2, %add3A_435 : i32
    %dma_start3A_437 = arith.constant 0 : i32
    %dma_start3A_438 = tpu.memref_slice %arg4[%add3A_436, %dma_start3A_437] : memref<327680x128xf32, #tpu.memory_space<hbm>> -> memref<64x128xf32, #tpu.memory_space<hbm>>
    %dma_start3A_439 = arith.constant 0 : i32
    %dma_start3A_440 = tpu.memref_slice %arg4[%add3A_436, %dma_start3A_439] : memref<327680x128xf32, #tpu.memory_space<hbm>> -> memref<64x128xf32, #tpu.memory_space<hbm>>
    tpu.enqueue_dma source(%arg13 : memref<64x128xf32, #tpu.memory_space<vmem>>) target(%dma_start3A_440 : memref<64x128xf32, #tpu.memory_space<hbm>>) target_semaphore(%arg33 : memref<!tpu.dma_semaphore, #tpu.memory_space<semaphore_mem>>)
    %dma_wait3A_441 = arith.constant 158 : i32
    %dma_wait3A_442 = arith.constant 0 : i32
    %dma_wait3A_443 = tpu.memref_slice %arg5[%dma_wait3A_441, %dma_wait3A_442] : memref<160x64xi32, #tpu.memory_space<vmem>> -> memref<1x64xi32, #tpu.memory_space<vmem>>
    %dma_wait3A_444 = tpu.memref_squeeze %dma_wait3A_443 : memref<1x64xi32, #tpu.memory_space<vmem>> -> memref<64xi32, #tpu.memory_space<vmem>>
    %dma_wait3A_445 = arith.constant 0 : i32
    %dma_wait3A_446 = arith.constant 0 : i32
    %dma_wait3A_447 = tpu.memref_slice %arg3[%dma_wait3A_445, %dma_wait3A_446] : memref<100000x128xf32, #tpu.memory_space<hbm>> -> memref<100000x128xf32, #tpu.memory_space<hbm>>
    tpu.wait_indirect_dma semaphore(%arg24 : memref<!tpu.dma_semaphore, #tpu.memory_space<semaphore_mem>>) src(%dma_wait3A_447 : memref<100000x128xf32, #tpu.memory_space<hbm>>) dst(%arg14 : memref<64x128xf32, #tpu.memory_space<vmem>>)
    %add3A_448 = arith.constant 10112 : i32
    %add3A_449 = arith.addi %mul3A_2, %add3A_448 : i32
    %dma_start3A_450 = arith.constant 0 : i32
    %dma_start3A_451 = tpu.memref_slice %arg4[%add3A_449, %dma_start3A_450] : memref<327680x128xf32, #tpu.memory_space<hbm>> -> memref<64x128xf32, #tpu.memory_space<hbm>>
    %dma_start3A_452 = arith.constant 0 : i32
    %dma_start3A_453 = tpu.memref_slice %arg4[%add3A_449, %dma_start3A_452] : memref<327680x128xf32, #tpu.memory_space<hbm>> -> memref<64x128xf32, #tpu.memory_space<hbm>>
    tpu.enqueue_dma source(%arg14 : memref<64x128xf32, #tpu.memory_space<vmem>>) target(%dma_start3A_453 : memref<64x128xf32, #tpu.memory_space<hbm>>) target_semaphore(%arg34 : memref<!tpu.dma_semaphore, #tpu.memory_space<semaphore_mem>>)
    %dma_wait3A_454 = arith.constant 159 : i32
    %dma_wait3A_455 = arith.constant 0 : i32
    %dma_wait3A_456 = tpu.memref_slice %arg5[%dma_wait3A_454, %dma_wait3A_455] : memref<160x64xi32, #tpu.memory_space<vmem>> -> memref<1x64xi32, #tpu.memory_space<vmem>>
    %dma_wait3A_457 = tpu.memref_squeeze %dma_wait3A_456 : memref<1x64xi32, #tpu.memory_space<vmem>> -> memref<64xi32, #tpu.memory_space<vmem>>
    %dma_wait3A_458 = arith.constant 0 : i32
    %dma_wait3A_459 = arith.constant 0 : i32
    %dma_wait3A_460 = tpu.memref_slice %arg3[%dma_wait3A_458, %dma_wait3A_459] : memref<100000x128xf32, #tpu.memory_space<hbm>> -> memref<100000x128xf32, #tpu.memory_space<hbm>>
    tpu.wait_indirect_dma semaphore(%arg25 : memref<!tpu.dma_semaphore, #tpu.memory_space<semaphore_mem>>) src(%dma_wait3A_460 : memref<100000x128xf32, #tpu.memory_space<hbm>>) dst(%arg15 : memref<64x128xf32, #tpu.memory_space<vmem>>)
    %add3A_461 = arith.constant 10176 : i32
    %add3A_462 = arith.addi %mul3A_2, %add3A_461 : i32
    %dma_start3A_463 = arith.constant 0 : i32
    %dma_start3A_464 = tpu.memref_slice %arg4[%add3A_462, %dma_start3A_463] : memref<327680x128xf32, #tpu.memory_space<hbm>> -> memref<64x128xf32, #tpu.memory_space<hbm>>
    %dma_start3A_465 = arith.constant 0 : i32
    %dma_start3A_466 = tpu.memref_slice %arg4[%add3A_462, %dma_start3A_465] : memref<327680x128xf32, #tpu.memory_space<hbm>> -> memref<64x128xf32, #tpu.memory_space<hbm>>
    tpu.enqueue_dma source(%arg15 : memref<64x128xf32, #tpu.memory_space<vmem>>) target(%dma_start3A_466 : memref<64x128xf32, #tpu.memory_space<hbm>>) target_semaphore(%arg35 : memref<!tpu.dma_semaphore, #tpu.memory_space<semaphore_mem>>)
    %add3A_467 = arith.constant 9600 : i32
    %add3A_468 = arith.addi %mul3A_2, %add3A_467 : i32
    %dma_wait3A_469 = arith.constant 0 : i32
    %dma_wait3A_470 = tpu.memref_slice %arg4[%add3A_468, %dma_wait3A_469] : memref<327680x128xf32, #tpu.memory_space<hbm>> -> memref<64x128xf32, #tpu.memory_space<hbm>>
    %dma_wait3A_471 = arith.constant 0 : i32
    %dma_wait3A_472 = tpu.memref_slice %arg4[%add3A_468, %dma_wait3A_471] : memref<327680x128xf32, #tpu.memory_space<hbm>> -> memref<64x128xf32, #tpu.memory_space<hbm>>
    tpu.wait_dma2 semaphore(%arg26 : memref<!tpu.dma_semaphore, #tpu.memory_space<semaphore_mem>>) src(%arg6 : memref<64x128xf32, #tpu.memory_space<vmem>>) dst(%dma_wait3A_472 : memref<64x128xf32, #tpu.memory_space<hbm>>)
    %add3A_473 = arith.constant 9664 : i32
    %add3A_474 = arith.addi %mul3A_2, %add3A_473 : i32
    %dma_wait3A_475 = arith.constant 0 : i32
    %dma_wait3A_476 = tpu.memref_slice %arg4[%add3A_474, %dma_wait3A_475] : memref<327680x128xf32, #tpu.memory_space<hbm>> -> memref<64x128xf32, #tpu.memory_space<hbm>>
    %dma_wait3A_477 = arith.constant 0 : i32
    %dma_wait3A_478 = tpu.memref_slice %arg4[%add3A_474, %dma_wait3A_477] : memref<327680x128xf32, #tpu.memory_space<hbm>> -> memref<64x128xf32, #tpu.memory_space<hbm>>
    tpu.wait_dma2 semaphore(%arg27 : memref<!tpu.dma_semaphore, #tpu.memory_space<semaphore_mem>>) src(%arg7 : memref<64x128xf32, #tpu.memory_space<vmem>>) dst(%dma_wait3A_478 : memref<64x128xf32, #tpu.memory_space<hbm>>)
    %add3A_479 = arith.constant 9728 : i32
    %add3A_480 = arith.addi %mul3A_2, %add3A_479 : i32
    %dma_wait3A_481 = arith.constant 0 : i32
    %dma_wait3A_482 = tpu.memref_slice %arg4[%add3A_480, %dma_wait3A_481] : memref<327680x128xf32, #tpu.memory_space<hbm>> -> memref<64x128xf32, #tpu.memory_space<hbm>>
    %dma_wait3A_483 = arith.constant 0 : i32
    %dma_wait3A_484 = tpu.memref_slice %arg4[%add3A_480, %dma_wait3A_483] : memref<327680x128xf32, #tpu.memory_space<hbm>> -> memref<64x128xf32, #tpu.memory_space<hbm>>
    tpu.wait_dma2 semaphore(%arg28 : memref<!tpu.dma_semaphore, #tpu.memory_space<semaphore_mem>>) src(%arg8 : memref<64x128xf32, #tpu.memory_space<vmem>>) dst(%dma_wait3A_484 : memref<64x128xf32, #tpu.memory_space<hbm>>)
    %add3A_485 = arith.constant 9792 : i32
    %add3A_486 = arith.addi %mul3A_2, %add3A_485 : i32
    %dma_wait3A_487 = arith.constant 0 : i32
    %dma_wait3A_488 = tpu.memref_slice %arg4[%add3A_486, %dma_wait3A_487] : memref<327680x128xf32, #tpu.memory_space<hbm>> -> memref<64x128xf32, #tpu.memory_space<hbm>>
    %dma_wait3A_489 = arith.constant 0 : i32
    %dma_wait3A_490 = tpu.memref_slice %arg4[%add3A_486, %dma_wait3A_489] : memref<327680x128xf32, #tpu.memory_space<hbm>> -> memref<64x128xf32, #tpu.memory_space<hbm>>
    tpu.wait_dma2 semaphore(%arg29 : memref<!tpu.dma_semaphore, #tpu.memory_space<semaphore_mem>>) src(%arg9 : memref<64x128xf32, #tpu.memory_space<vmem>>) dst(%dma_wait3A_490 : memref<64x128xf32, #tpu.memory_space<hbm>>)
    %add3A_491 = arith.constant 9856 : i32
    %add3A_492 = arith.addi %mul3A_2, %add3A_491 : i32
    %dma_wait3A_493 = arith.constant 0 : i32
    %dma_wait3A_494 = tpu.memref_slice %arg4[%add3A_492, %dma_wait3A_493] : memref<327680x128xf32, #tpu.memory_space<hbm>> -> memref<64x128xf32, #tpu.memory_space<hbm>>
    %dma_wait3A_495 = arith.constant 0 : i32
    %dma_wait3A_496 = tpu.memref_slice %arg4[%add3A_492, %dma_wait3A_495] : memref<327680x128xf32, #tpu.memory_space<hbm>> -> memref<64x128xf32, #tpu.memory_space<hbm>>
    tpu.wait_dma2 semaphore(%arg30 : memref<!tpu.dma_semaphore, #tpu.memory_space<semaphore_mem>>) src(%arg10 : memref<64x128xf32, #tpu.memory_space<vmem>>) dst(%dma_wait3A_496 : memref<64x128xf32, #tpu.memory_space<hbm>>)
    %add3A_497 = arith.constant 9920 : i32
    %add3A_498 = arith.addi %mul3A_2, %add3A_497 : i32
    %dma_wait3A_499 = arith.constant 0 : i32
    %dma_wait3A_500 = tpu.memref_slice %arg4[%add3A_498, %dma_wait3A_499] : memref<327680x128xf32, #tpu.memory_space<hbm>> -> memref<64x128xf32, #tpu.memory_space<hbm>>
    %dma_wait3A_501 = arith.constant 0 : i32
    %dma_wait3A_502 = tpu.memref_slice %arg4[%add3A_498, %dma_wait3A_501] : memref<327680x128xf32, #tpu.memory_space<hbm>> -> memref<64x128xf32, #tpu.memory_space<hbm>>
    tpu.wait_dma2 semaphore(%arg31 : memref<!tpu.dma_semaphore, #tpu.memory_space<semaphore_mem>>) src(%arg11 : memref<64x128xf32, #tpu.memory_space<vmem>>) dst(%dma_wait3A_502 : memref<64x128xf32, #tpu.memory_space<hbm>>)
    %add3A_503 = arith.constant 9984 : i32
    %add3A_504 = arith.addi %mul3A_2, %add3A_503 : i32
    %dma_wait3A_505 = arith.constant 0 : i32
    %dma_wait3A_506 = tpu.memref_slice %arg4[%add3A_504, %dma_wait3A_505] : memref<327680x128xf32, #tpu.memory_space<hbm>> -> memref<64x128xf32, #tpu.memory_space<hbm>>
    %dma_wait3A_507 = arith.constant 0 : i32
    %dma_wait3A_508 = tpu.memref_slice %arg4[%add3A_504, %dma_wait3A_507] : memref<327680x128xf32, #tpu.memory_space<hbm>> -> memref<64x128xf32, #tpu.memory_space<hbm>>
    tpu.wait_dma2 semaphore(%arg32 : memref<!tpu.dma_semaphore, #tpu.memory_space<semaphore_mem>>) src(%arg12 : memref<64x128xf32, #tpu.memory_space<vmem>>) dst(%dma_wait3A_508 : memref<64x128xf32, #tpu.memory_space<hbm>>)
    %add3A_509 = arith.constant 10048 : i32
    %add3A_510 = arith.addi %mul3A_2, %add3A_509 : i32
    %dma_wait3A_511 = arith.constant 0 : i32
    %dma_wait3A_512 = tpu.memref_slice %arg4[%add3A_510, %dma_wait3A_511] : memref<327680x128xf32, #tpu.memory_space<hbm>> -> memref<64x128xf32, #tpu.memory_space<hbm>>
    %dma_wait3A_513 = arith.constant 0 : i32
    %dma_wait3A_514 = tpu.memref_slice %arg4[%add3A_510, %dma_wait3A_513] : memref<327680x128xf32, #tpu.memory_space<hbm>> -> memref<64x128xf32, #tpu.memory_space<hbm>>
    tpu.wait_dma2 semaphore(%arg33 : memref<!tpu.dma_semaphore, #tpu.memory_space<semaphore_mem>>) src(%arg13 : memref<64x128xf32, #tpu.memory_space<vmem>>) dst(%dma_wait3A_514 : memref<64x128xf32, #tpu.memory_space<hbm>>)
    %add3A_515 = arith.constant 10112 : i32
    %add3A_516 = arith.addi %mul3A_2, %add3A_515 : i32
    %dma_wait3A_517 = arith.constant 0 : i32
    %dma_wait3A_518 = tpu.memref_slice %arg4[%add3A_516, %dma_wait3A_517] : memref<327680x128xf32, #tpu.memory_space<hbm>> -> memref<64x128xf32, #tpu.memory_space<hbm>>
    %dma_wait3A_519 = arith.constant 0 : i32
    %dma_wait3A_520 = tpu.memref_slice %arg4[%add3A_516, %dma_wait3A_519] : memref<327680x128xf32, #tpu.memory_space<hbm>> -> memref<64x128xf32, #tpu.memory_space<hbm>>
    tpu.wait_dma2 semaphore(%arg34 : memref<!tpu.dma_semaphore, #tpu.memory_space<semaphore_mem>>) src(%arg14 : memref<64x128xf32, #tpu.memory_space<vmem>>) dst(%dma_wait3A_520 : memref<64x128xf32, #tpu.memory_space<hbm>>)
    %add3A_521 = arith.constant 10176 : i32
    %add3A_522 = arith.addi %mul3A_2, %add3A_521 : i32
    %dma_wait3A_523 = arith.constant 0 : i32
    %dma_wait3A_524 = tpu.memref_slice %arg4[%add3A_522, %dma_wait3A_523] : memref<327680x128xf32, #tpu.memory_space<hbm>> -> memref<64x128xf32, #tpu.memory_space<hbm>>
    %dma_wait3A_525 = arith.constant 0 : i32
    %dma_wait3A_526 = tpu.memref_slice %arg4[%add3A_522, %dma_wait3A_525] : memref<327680x128xf32, #tpu.memory_space<hbm>> -> memref<64x128xf32, #tpu.memory_space<hbm>>
    tpu.wait_dma2 semaphore(%arg35 : memref<!tpu.dma_semaphore, #tpu.memory_space<semaphore_mem>>) src(%arg15 : memref<64x128xf32, #tpu.memory_space<vmem>>) dst(%dma_wait3A_526 : memref<64x128xf32, #tpu.memory_space<hbm>>)
    return
  }
}

</mosaic_0001>

<sc_bundles>
// kernel: kernel.3.cloned.1.call-start
scs
__scs_entry_jumppad:
0x0: {  	(pc) =	sbr.rel $0x88, $3  }
0x1: {  	(tag) =	ssettag $0x0;
	lr =	simm.s32 $0x1  }
0x2: {  	[smem:$0x3F9F] =	sst lr;
	_ =	strace $0xD0000000  }
0x3: {  	_ = 	snop  }
0x4: {  	_ = 	snop  }
0x5: {  	_ = 	snop  }
0x6: {  	_ = 	snop  }
0x7: {  	_ = 	snop  }
__scs_overlays_trampoline_lowered:
0x8: {  	[smem:$0x3FAE] =	sst s0  }
0x9: {  	[smem:$0x3FAF] =	sst s1  }
0xa: {  	[smem:$0x3FB0] =	sst s2  }
0xb: {  	[smem:$0x3FB1] =	sst s3  }
0xc: {  	[smem:$0x3FB2] =	sst s4  }
0xd: {  	[smem:$0x3FB3] =	sst s5  }
0xe: {  	[smem:$0x3FB4] =	sst s6  }
0xf: {  	[smem:$0x3FB5] =	sst s7  }
0x10: {  	[smem:$0x3FB6] =	sst s8  }
0x11: {  	[smem:$0x3FB7] =	sst s9;
	s0 =	simm.s32 @!p0 $0x0  }
0x12: {  	s1 =	sld [smem:$0x3F9D];
	s0 =	simm.s32 @p0 $0x1  }
0x13: {  	[smem:$0x3FB8] =	sst s0;
	s0 =	simm.s32 @!p1 $0x0  }
0x14: {  	s2 =	sld [smem:$0x3F9C];
	s0 =	simm.s32 @p1 $0x1  }
0x15: {  	[smem:$0x3FB9] =	sst s0;
	s0 =	simm.s32 @!p2 $0x0  }
0x16: {  	s3 =	sld [smem:$0x3FDB];
	s0 =	simm.s32 @p2 $0x1  }
0x17: {  	s4 =	simm.s32 $0x1BF5;
	[smem:$0x3FBB] =	sst s0  }
0x18: {  	s0 =	sld [smem:$0x3F9E];
	_ =	swait.ge [sflag:s4], $0x0  }
0x19: {  	s7 =	sld [smem:$0x3F9F]  }
0x1a: {  	s8 =	sadd.s32 $0xFFFFE003, lr  }
0x1b: {  	s9 =	sadd.s32 $0xFFFFFEF7, lr;
	s5 =	simm.s32 $0xFFFFFFFF;
	p2 =	slt.u32 s8, $0xFFFFF086  }
0x1c: {  	p1 =	slt.u32 s9, $0xF7A;
	s5 =	simm.s32 @!p2 $0x0  }
0x1d: {  	s5 =	simm.s32 @p1 $0x1;
	p0 =	seq.s32 s7, s2  }
0x1e: {  	s7 =	smul.u32 @!p0 $0xF7A, s2;
	p2 =	seq.s32 @!p0 s5, $0x0  }
0x1f: {  	s9 =	smul.u32 $0xF7A, s1;
	s8 =	simm.s32 @!p0 $0x1BF5;
	p2 =	por !p2, p0  }
0x20: {  	[sflag:s8] =	ssyncset.s32 @!p0 $0xFFFFF086;
	s6 =	sadd.s32 @!p0 s3, s7;
	s7 =	simm.s32 @!p0 $0x108  }
0x21: {  	s3 =	sadd.s32 s3, s9;
	s6 =	sadd.s32 @!p0 $0x88, s6;
	s7 =	simm.s32 @p2 $0x1082  }
0x22: {  	[simem:s7], [sflag:s8] =	dma.local @!p0 [hbm:s6], $0xF7A  }
0x23: {  	s9 =	sor.u32 $0xD0000000, s2;
	s6 =	simm.s32 $0x108;
	_ =	swait.ge @!p0 [sflag:s8], $0x0  }
0x24: {  	s3 =	sadd.s32 $0x88, s3;
	s6 =	simm.s32 @!p1 $0x1082;
	[sflag:s4] =	ssyncset.s32 $0xFFFFF086  }
0x25: {  	[simem:s6], [sflag:s4] =	dma.local [hbm:s3], $0xF7A  }
0x26: {  	[smem:$0x3F9F] =	sst s1;
	(tag) =	ssettag s2;
	_ =	strace s9  }
0x27: {  	s1 =	sld [smem:$0x3FAF]  }
0x28: {  	s2 =	sld [smem:$0x3FB0]  }
0x29: {  	s4 =	sld [smem:$0x3FB2]  }
0x2a: {  	p0 =	seq.s32 s5, $0x0;
	s5 =	sld [smem:$0x3FB3]  }
0x2b: {  	s6 =	sld [smem:$0x3FB4]  }
0x2c: {  	s7 =	sld [smem:$0x3FB5]  }
0x2d: {  	s3 =	simm.s32 $0x108;
	s8 =	sld [smem:$0x3FB6]  }
0x2e: {  	s3 =	simm.s32 @!p0 $0x1082;
	s9 =	sld [smem:$0x3FB7]  }
0x2f: {  	lr =	sadd.s32 s0, s3;
	s0 =	sld [smem:$0x3FAE]  }
0x30: {  	s3 =	sld [smem:$0x3FB1]  }
0x31: {  	[smem:$0x3FBA] =	sst s10  }
0x32: {  	s10 =	sld [smem:$0x3FB8];
	_ =	sdelay $0x3  }
0x33: {  	p0 =	seq.s32 s10, $0x1;
	s10 =	sld [smem:$0x3FBA];
	_ =	sdelay $0x3  }
0x34: {  	[smem:$0x3FBA] =	sst s10  }
0x35: {  	s10 =	sld [smem:$0x3FB9];
	_ =	sdelay $0x3  }
0x36: {  	p1 =	seq.s32 s10, $0x1;
	s10 =	sld [smem:$0x3FBA];
	_ =	sdelay $0x3  }
0x37: {  	[smem:$0x3FBA] =	sst s10  }
0x38: {  	s10 =	sld [smem:$0x3FBB]  }
0x39: {  	_ = 	snop;
	(pc) =	sbr.ind lr, $3  }
0x3a: {  	_ = 	snop  }
0x3b: {  	_ = 	snop  }
0x3c: {  	p2 =	seq.s32 s10, $0x1;
	s10 =	sld [smem:$0x3FBA]  }
0x3d: {  	_ =	shalt  }
0x3e: {  	_ =	shalt  }
0x3f: {  	_ =	shalt  }
0x40: {  	_ =	shalt  }
0x41: {  	_ =	shalt  }
0x42: {  	_ =	shalt  }
0x43: {  	_ =	shalt  }
0x44: {  	_ =	shalt  }
0x45: {  	_ =	shalt  }
0x46: {  	_ =	shalt  }
0x47: {  	_ =	shalt  }
0x48: {  	_ =	shalt  }
0x49: {  	_ =	shalt  }
0x4a: {  	_ =	shalt  }
0x4b: {  	_ =	shalt  }
0x4c: {  	_ =	shalt  }
0x4d: {  	_ =	shalt  }
0x4e: {  	_ =	shalt  }
0x4f: {  	_ =	shalt  }
0x50: {  	_ =	shalt  }
0x51: {  	_ =	shalt  }
0x52: {  	_ =	shalt  }
0x53: {  	_ =	shalt  }
0x54: {  	_ =	shalt  }
0x55: {  	_ =	shalt  }
0x56: {  	_ =	shalt  }
0x57: {  	_ =	shalt  }
0x58: {  	_ =	shalt  }
0x59: {  	_ =	shalt  }
0x5a: {  	_ =	shalt  }
0x5b: {  	_ =	shalt  }
0x5c: {  	_ =	shalt  }
0x5d: {  	_ =	shalt  }
0x5e: {  	_ =	shalt  }
0x5f: {  	_ =	shalt  }
0x60: {  	_ =	shalt  }
0x61: {  	_ =	shalt  }
0x62: {  	_ =	shalt  }
0x63: {  	_ =	shalt  }
0x64: {  	_ =	shalt  }
0x65: {  	_ =	shalt  }
0x66: {  	_ =	shalt  }
0x67: {  	_ =	shalt  }
0x68: {  	_ =	shalt  }
0x69: {  	_ =	shalt  }
0x6a: {  	_ =	shalt  }
0x6b: {  	_ =	shalt  }
0x6c: {  	_ =	shalt  }
0x6d: {  	_ =	shalt  }
0x6e: {  	_ =	shalt  }
0x6f: {  	_ =	shalt  }
0x70: {  	_ =	shalt  }
0x71: {  	_ =	shalt  }
0x72: {  	_ =	shalt  }
0x73: {  	_ =	shalt  }
0x74: {  	_ =	shalt  }
0x75: {  	_ =	shalt  }
0x76: {  	_ =	shalt  }
0x77: {  	_ =	shalt  }
0x78: {  	_ =	shalt  }
0x79: {  	_ =	shalt  }
0x7a: {  	_ =	shalt  }
0x7b: {  	_ =	shalt  }
0x7c: {  	_ =	shalt  }
0x7d: {  	_ =	shalt  }
0x7e: {  	_ =	shalt  }
0x7f: {  	_ =	shalt  }
0x80: {  	_ =	shalt  }
0x81: {  	_ =	shalt  }
0x82: {  	_ =	shalt  }
0x83: {  	_ =	shalt  }
0x84: {  	_ =	shalt  }
0x85: {  	_ =	shalt  }
0x86: {  	_ =	shalt  }
0x87: {  	_ =	shalt  }
.Lfunc_end0:
.L_simem_size_0:
called_computation.1_lowered:
.L_overlay_start_0:
0x88: {  	s2 =	sld [smem:$0x3FD9]  }
0x89: {  	s3 =	sld [smem:$0x3FFE];
	_ =	sdelay $0x1  }
0x8a: {  	s1 =	srdreg.scid  }
0x8b: {  	s0 =	sand.u32 $0x1, s1  }
0x8c: {  	s17 =	sshll.u32 s0, $0xA;
	s2 =	sadd.s32 s3, s2  }
0x8d: {  	s2 =	sadd.s32 s2, s17  }
0x8e: {  	[smem:$0x3FC6] =	sst s2  }
0x8f: {  	_ = 	snop  }
0x90: {  	s2 =	sld [smem:$0x3FC8]  }
0x91: {  	s18 =	sld [smem:$0x3FD0];
	(tm) =	ssettm $0x1  }
0x92: {  	s4 =	sld [smem:$0x3FFB];
	_ =	sdelay $0x3  }
0x93: {  	_ =	strace s4  }
0x94: {  	s4 =	sld [smem:$0x3FFC];
	_ =	sdelay $0x3  }
0x95: {  	_ =	strace s4  }
0x96: {  	s4 =	sld [smem:$0x3FFD];
	_ =	sdelay $0x3  }
0x97: {  	_ =	strace s4  }
0x98: {  	_ =	strace $0x8FFFFFFF  }
0x99: {  	s19 =	sld [smem:$0x3FDB];
	_ =	sdelay $0x1  }
0x9a: {  	s5 =	simm.s32 $_scs_section_size  }
0x9b: {  	s6 =	simm.s32 $_size__tile_overlayer_lowered;
	s7 =	simm.s32 $_tile_overlayer_lowered  }
0x9c: {  	s22 =	simm.s32 $0x1BFF;
	s21 =	sshll.u32 s7, $0x1;
	s4 =	sadd.s32 s5, s19  }
0x9d: {  	s8 =	simm.s32 $0x0;
	s20 =	sshll.u32 s6, $0x1;
	s6 =	sadd.s32 s21, s4  }
0x9e: {  	[timem:s8], [sflag:s22] =	dma.local [hbm:s6], s20  }
0x9f: {  	_ =	swait.ge [sflag:s22], s20  }
0xa0: {  	s5 =	ssub.s32 $0x0, s20;
	[sflag:s22] =	ssyncset.done $0x0  }
0xa1: {  	[sflag:s22] =	ssyncadd.s32 s5;
	_ =	sdelay $0x1  }
0xa2: {  	s23 =	simm.s32 $0x1B8B  }
0xa3: {  	_ =	swait.ge [sflag:s23], $0x1  }
0xa4: {  	[sflag:s23] =	ssyncset.done $0x0  }
0xa5: {  	s25 =	simm.s32 $0x1B8E;
	s24 =	sld [smem:$0x3FFE];
	[sflag:s23] =	ssyncadd.s32 $0xFFFFFFFF  }
0xa6: {  	s26 =	simm.s32 $execute0_lowered;
	[smem:$0x3FD2] =	sst s25  }
0xa7: {  	s6 =	sshll.u32 s26, $0x1;
	_ =	strace $0x80000046;
	[dreg:$0x1] =	wrdreg $0xFFFFFFFF  }
0xa8: {  	s28 =	simm.s32 $_size_execute0_lowered;
	s4 =	sadd.s32 s4, s6;
	[dreg:$0x0] =	wrdreg $0x0  }
0xa9: {  	s6 =	sshll.u32 s28, $0x1;
	[dreg:$0x2] =	wrdreg s4  }
0xaa: {  	[dreg:$0x3] =	wrdreg s6  }
0xab: {  	[dreg:$0x4] =	wrdreg $0xC0  }
0xac: {  	_ =	task [dreg:s8], $0x5FFFF  }
0xad: {  	[dreg:$0x1] =	wrdreg $0xFFFFFFFF  }
0xae: {  	[dreg:$0x0] =	wrdreg $0x60  }
0xaf: {  	[dreg:$0x2] =	wrdreg s24  }
0xb0: {  	[dreg:$0x3] =	wrdreg s2  }
0xb1: {  	[dreg:$0x4] =	wrdreg s18  }
0xb2: {  	[dreg:$0x5] =	wrdreg $0x9  }
0xb3: {  	_ =	task.clear_ibuf [dreg:s8], $0x6FFFF;
	_ =	strace $0x90000046  }
0xb4: {  	s29 =	simm.s32 $0x9;
	_ =	strace $0x80000048  }
0xb5: {  	_ =	swait.ge [sflag:s29], $0x1  }
0xb6: {  	[sflag:s29] =	ssyncadd.s32 $0xFFFFFFFF  }
0xb7: {  	_ =	strace $0x90000048  }
0xb8: {  	_ =	sfence  }
0xb9: {  	s30 =	sld [smem:$0x0];
	_ =	sdelay $0x2  }
0xba: {  	s31 =	sshll.u32 s1, $0xD;
	s1 =	sshrl.u32 s1, $0x2  }
0xbb: {  	s3 =	sand.u32 $0x4000, s31;
	s1 =	sadd.s32 s1, s30  }
0xbc: {  	s0 =	sor.u32 s3, s0;
	s1 =	sshll.u32 s1, $0x11  }
0xbd: {  	s0 =	sor.u32 s1, s0  }
0xbe: {  	s0 =	sadd.s32 $0x8F2B, s0  }
0xbf: {  	[sflag:s0] =	ssyncadd.remote.s32 $0x1  }
0xc0: {  	_ =	sfence.sel $0xFFFF  }
0xc1: {  	[dreg:$0x0] =	wrdreg $0xFFFFFFFF;
	(pc) =	sbr.abs _section_cstart, $3  }
0xc2: {  	[dreg:$0x1] =	wrdreg $0xFFFFFFFF  }
0xc3: {  	_ =	task.clear_ibuf [dreg:s8], $0x2FFFF;
	_ =	strace $0x9FFFFFFF  }
0xc4: {  	(tm) =	ssettm $0x7FFFFFFF  }
0xc5: {  	_ =	shalt  }
tec
execute0_lowered:
.L_overlay_start_1:
0x0: {  	(tag) =	ssettag $0x1  }
0x1: {  	s1 =	srdreg.scid;
	s8 =	stileid.u32  }
0x2: {  	s1 =	sand.u32 $0x1, s1;
	s23 =	smul.u32 $0x50000, s8  }
0x3: {  	s0 =	rddreg [dreg:$0x0];
	s3 =	sshll.u32 s8, $0x1;
	s26 =	smul.u32 $0x140000, s1  }
0x4: {  	s3 =	sor.u32 s1, s3;
	s7 =	ssub.s32 $0x2, s1;
	s1 =	smul.u32 $0x28000, s1  }
0x5: {  	s2 =	rddreg [dreg:$0x1];
	s4 =	simm.s32 $0x0;
	s5 =	smul.u32 $0xA00, s3  }
0x6: {  	[smem:$0x7FF] =	sst s4;
	s6 =	smul.u32 $0x28000, s3  }
0x7: {  	s9 =	rddreg [dreg:$0x2];
	_ =	strace $0x80000047;
	s1 =	sadd.s32 s1, s23  }
0x8: {  	s0 =	sadd.s32 s5, s0;
	s10 =	sadd.s32 s9, s6;
	[dreg:$0x4] =	wrdreg s1  }
0x9: {  	s0 =	sadd.s32 $0x800, s0;
	[dreg:$0x9] =	wrdreg s10  }
0xa: {  	s17 =	sadd.s32 $0x400, s10;
	[dreg:$0xa] =	wrdreg s0  }
0xb: {  	s18 =	sadd.s32 $0x800, s10;
	[dreg:$0xb] =	wrdreg s17  }
0xc: {  	s19 =	sadd.s32 $0xC00, s10;
	[dreg:$0xc] =	wrdreg s18  }
0xd: {  	s24 =	smul.u32 $0x280000, s8;
	s21 =	sadd.s32 $0x1000, s10;
	[dreg:$0xd] =	wrdreg s19  }
0xe: {  	s16 =	sshrl.u32 s7, $0x1;
	s22 =	sadd.s32 $0x1400, s10;
	[dreg:$0xe] =	wrdreg s21  }
0xf: {  	s20 =	smul.u32 $0x140000, s3;
	s6 =	sadd.s32 $0x1800, s10;
	[dreg:$0xf] =	wrdreg s22  }
0x10: {  	s5 =	ssub.s32 s7, s16;
	s25 =	sadd.s32 $0x1C00, s10;
	[dreg:$0x10] =	wrdreg s6  }
0x11: {  	s31 =	sadd.s32 $0x2000, s10;
	s0 =	sshrl.u32 s20, $0x3;
	[dreg:$0x11] =	wrdreg s25  }
0x12: {  	[dreg:$0x12] =	wrdreg s31;
	s6 =	sadd.s32 s26, s24;
	s26 =	smax.u32 s5, $0x1  }
0x13: {  	s31 =	sadd.s32 $0x2400, s10;
	s0 =	sadd.s32 s9, s0;
	[dreg:$0x1d] =	wrdreg s26  }
0x14: {  	[dreg:$0x1e] =	wrdreg s31;
	s9 =	sadd.s32 $0x25800, s0  }
0x15: {  	s29 =	simm.s32 $0x40;
	s11 =	sadd.s32 $0x25C00, s0;
	[dreg:$0x13] =	wrdreg s9  }
0x16: {  	s28 =	simm.s32 $0x11;
	s12 =	sadd.s32 $0x26000, s0;
	[dreg:$0x14] =	wrdreg s11  }
0x17: {  	s30 =	simm.s32 $0x13;
	s13 =	sadd.s32 $0x26400, s0;
	[dreg:$0x15] =	wrdreg s12  }
0x18: {  	s14 =	sor.u32 $0x26000, s6;
	s17 =	sadd.s32 $0x26800, s0;
	[dreg:$0x16] =	wrdreg s13  }
0x19: {  	s3 =	simm.s32 $0x12;
	s15 =	sshrl.u32 s14, $0x3;
	[dreg:$0x17] =	wrdreg s17  }
0x1a: {  	s16 =	sor.u32 $0x24000, s6;
	s19 =	sadd.s32 $0x26C00, s0;
	[dreg:$0x5] =	wrdreg s15  }
0x1b: {  	s5 =	simm.s32 $0x10;
	s18 =	sshrl.u32 s16, $0x3;
	[dreg:$0x18] =	wrdreg s19  }
0x1c: {  	s20 =	sor.u32 $0x22000, s6;
	s21 =	sadd.s32 $0x27000, s0;
	[dreg:$0x6] =	wrdreg s18  }
0x1d: {  	s22 =	sor.u32 $0x20000, s6;
	s1 =	sshrl.u32 s20, $0x3;
	[dreg:$0x19] =	wrdreg s21  }
0x1e: {  	s26 =	simm.s32 $0xA;
	s23 =	sadd.s32 $0x27400, s0;
	[dreg:$0x7] =	wrdreg s1  }
0x1f: {  	s6 =	simm.s32 $0x0;
	s24 =	sshrl.u32 s22, $0x3;
	[dreg:$0x1a] =	wrdreg s23  }
0x20: {  	s25 =	sadd.s32 $0x27800, s0;
	s0 =	sadd.s32 $0x27C00, s0;
	[dreg:$0x8] =	wrdreg s24  }
0x21: {  	s20 =	simm.s32 $0x7;
	s22 =	simm.s32 $0x8;
	[dreg:$0x1b] =	wrdreg s25  }
0x22: {  	[dreg:$0x1c] =	wrdreg s0;
	s21 =	simm.s32 $0xD;
	s23 =	simm.s32 $0xE  }
0x23: {  	s24 =	simm.s32 $0x9;
	s25 =	simm.s32 $0xF;
	s1 =	simm.s32 $0x14  }
.LBB2_1:
0x24: {  	[dreg:$0x1f] =	wrdreg s6  }
0x25: {  	s0 =	rddreg [dreg:$0xa];
	s7 =	simm.s32 $0x15  }
0x26: {  	[tilespmem:s4], [sflag:$0x15] =	stream.linear.gather [hbm4b:s0+s4], $0x5000, $0x38;
	[tilespmem:$0x19000] =	vst v63  }
0x27: {  	_ =	swait.ge [sflag:s7], $0x5000  }
0x28: {  	[sflag:s7] =	ssyncset.done $0x0  }
0x29: {  	s12 =	simm.s32 $0x5000;
	[sflag:s7] =	ssyncadd.s32 $0xFFFFB000  }
0x2a: {  	[tilespmem:s12], [sflag:$0x1] =	stream.indirect.gather [hbm4b:s2+s29], $0x80, s4, s29, $0xb8;
	[tilespmem:$0x19000] =	vst v63  }
0x2b: {  	s8 =	simm.s32 $0x80;
	s13 =	simm.s32 $0x7000  }
0x2c: {  	[tilespmem:s13], [sflag:$0x2] =	stream.indirect.gather [hbm4b:s2+s29], $0x80, s8, s29, $0xb8;
	[tilespmem:$0x19000] =	vst v63  }
0x2d: {  	s9 =	simm.s32 $0x100;
	s14 =	simm.s32 $0x9000  }
0x2e: {  	[tilespmem:s14], [sflag:$0x3] =	stream.indirect.gather [hbm4b:s2+s29], $0x80, s9, s29, $0xb8;
	[tilespmem:$0x19000] =	vst v63  }
0x2f: {  	s10 =	simm.s32 $0x180;
	s15 =	simm.s32 $0xB000  }
0x30: {  	[tilespmem:s15], [sflag:$0x4] =	stream.indirect.gather [hbm4b:s2+s29], $0x80, s10, s29, $0xb8;
	[tilespmem:$0x19000] =	vst v63  }
0x31: {  	s11 =	simm.s32 $0x200;
	s16 =	simm.s32 $0xD000  }
0x32: {  	[tilespmem:s16], [sflag:$0x5] =	stream.indirect.gather [hbm4b:s2+s29], $0x80, s11, s29, $0xb8;
	[tilespmem:$0x19000] =	vst v63  }
0x33: {  	s17 =	simm.s32 $0x280;
	s16 =	simm.s32 $0xF000  }
0x34: {  	[tilespmem:s16], [sflag:$0x6] =	stream.indirect.gather [hbm4b:s2+s29], $0x80, s17, s29, $0xb8;
	[tilespmem:$0x19000] =	vst v63  }
0x35: {  	s18 =	simm.s32 $0x300;
	s19 =	simm.s32 $0x11000  }
0x36: {  	[tilespmem:s19], [sflag:$0x7] =	stream.indirect.gather [hbm4b:s2+s29], $0x80, s18, s29, $0xb8;
	[tilespmem:$0x19000] =	vst v63  }
0x37: {  	s6 =	simm.s32 $0x380;
	s8 =	simm.s32 $0x13000  }
0x38: {  	[tilespmem:s8], [sflag:$0x8] =	stream.indirect.gather [hbm4b:s2+s29], $0x80, s6, s29, $0xb8;
	[tilespmem:$0x19000] =	vst v63  }
0x39: {  	s10 =	simm.s32 $0x400;
	s11 =	simm.s32 $0x15000  }
0x3a: {  	[tilespmem:s11], [sflag:$0x9] =	stream.indirect.gather [hbm4b:s2+s29], $0x80, s10, s29, $0xb8;
	[tilespmem:$0x19000] =	vst v63  }
0x3b: {  	s17 =	simm.s32 $0x480;
	s18 =	simm.s32 $0x17000;
	s6 =	simm.s32 $0x1  }
0x3c: {  	[tilespmem:s18], [sflag:$0xA] =	stream.indirect.gather [hbm4b:s2+s29], $0x80, s17, s29, $0xb8;
	[tilespmem:$0x19000] =	vst v63  }
0x3d: {  	_ =	swait.ge [sflag:s6], $0x2000  }
0x3e: {  	[sflag:s6] =	ssyncset.done $0x0  }
0x3f: {  	s18 =	simm.s32 $0x2;
	s19 =	rddreg [dreg:$0x9];
	[sflag:s6] =	ssyncadd.s32 $0xFFFFE000  }
0x40: {  	[hbm4b:s19+s4] =	stream.linear.scatter [tilespmem:s12], [sflag:$0xB], $0x2000, $0x38;
	[tilespmem:$0x19000] =	vst v63  }
0x41: {  	_ =	swait.ge [sflag:s18], $0x2000  }
0x42: {  	[sflag:s18] =	ssyncset.done $0x0  }
0x43: {  	s19 =	simm.s32 $0x3;
	s8 =	rddreg [dreg:$0xb];
	[sflag:s18] =	ssyncadd.s32 $0xFFFFE000  }
0x44: {  	[hbm4b:s8+s4] =	stream.linear.scatter [tilespmem:s13], [sflag:$0xC], $0x2000, $0x38;
	[tilespmem:$0x19000] =	vst v63  }
0x45: {  	_ =	swait.ge [sflag:s19], $0x2000  }
0x46: {  	[sflag:s19] =	ssyncset.done $0x0  }
0x47: {  	s31 =	simm.s32 $0x4;
	s10 =	rddreg [dreg:$0xc];
	[sflag:s19] =	ssyncadd.s32 $0xFFFFE000  }
0x48: {  	[hbm4b:s10+s4] =	stream.linear.scatter [tilespmem:s14], [sflag:$0xD], $0x2000, $0x38;
	[tilespmem:$0x19000] =	vst v63  }
0x49: {  	_ =	swait.ge [sflag:s31], $0x2000  }
0x4a: {  	[sflag:s31] =	ssyncset.done $0x0  }
0x4b: {  	s8 =	simm.s32 $0x5;
	s11 =	rddreg [dreg:$0xd];
	[sflag:s31] =	ssyncadd.s32 $0xFFFFE000  }
0x4c: {  	[hbm4b:s11+s4] =	stream.linear.scatter [tilespmem:s15], [sflag:$0xE], $0x2000, $0x38;
	[tilespmem:$0x19000] =	vst v63  }
0x4d: {  	_ =	swait.ge [sflag:s8], $0x2000  }
0x4e: {  	[sflag:s8] =	ssyncset.done $0x0  }
0x4f: {  	s9 =	simm.s32 $0xD000;
	s17 =	rddreg [dreg:$0xe];
	[sflag:s8] =	ssyncadd.s32 $0xFFFFE000  }
0x50: {  	[hbm4b:s17+s4] =	stream.linear.scatter [tilespmem:s9], [sflag:$0xF], $0x2000, $0x38;
	[tilespmem:$0x19000] =	vst v63  }
0x51: {  	s9 =	simm.s32 $0xB  }
0x52: {  	_ =	swait.ge [sflag:s9], $0x2000  }
0x53: {  	[sflag:s9] =	ssyncset.done $0x0  }
0x54: {  	s10 =	simm.s32 $0x500;
	[sflag:s9] =	ssyncadd.s32 $0xFFFFE000  }
0x55: {  	[tilespmem:s12], [sflag:$0x1] =	stream.indirect.gather [hbm4b:s2+s29], $0x80, s10, s29, $0xb8;
	[tilespmem:$0x19000] =	vst v63  }
0x56: {  	s10 =	simm.s32 $0x6  }
0x57: {  	_ =	swait.ge [sflag:s10], $0x2000  }
0x58: {  	[sflag:s10] =	ssyncset.done $0x0  }
0x59: {  	s11 =	rddreg [dreg:$0xf];
	[sflag:s10] =	ssyncadd.s32 $0xFFFFE000  }
0x5a: {  	[hbm4b:s11+s4] =	stream.linear.scatter [tilespmem:s16], [sflag:$0x10], $0x2000, $0x38;
	[tilespmem:$0x19000] =	vst v63  }
0x5b: {  	s11 =	simm.s32 $0xC  }
0x5c: {  	_ =	swait.ge [sflag:s11], $0x2000  }
0x5d: {  	[sflag:s11] =	ssyncset.done $0x0  }
0x5e: {  	s0 =	simm.s32 $0x580;
	[sflag:s11] =	ssyncadd.s32 $0xFFFFE000  }
0x5f: {  	[tilespmem:s13], [sflag:$0x2] =	stream.indirect.gather [hbm4b:s2+s29], $0x80, s0, s29, $0xb8;
	[tilespmem:$0x19000] =	vst v63  }
0x60: {  	_ =	swait.ge [sflag:s20], $0x2000  }
0x61: {  	[sflag:s20] =	ssyncset.done $0x0  }
0x62: {  	s7 =	simm.s32 $0x11000;
	s0 =	rddreg [dreg:$0x10];
	[sflag:s20] =	ssyncadd.s32 $0xFFFFE000  }
0x63: {  	[hbm4b:s0+s4] =	stream.linear.scatter [tilespmem:s7], [sflag:$0x11], $0x2000, $0x38;
	[tilespmem:$0x19000] =	vst v63  }
0x64: {  	_ =	swait.ge [sflag:s21], $0x2000  }
0x65: {  	[sflag:s21] =	ssyncset.done $0x0  }
0x66: {  	s7 =	simm.s32 $0x600;
	[sflag:s21] =	ssyncadd.s32 $0xFFFFE000  }
0x67: {  	[tilespmem:s14], [sflag:$0x3] =	stream.indirect.gather [hbm4b:s2+s29], $0x80, s7, s29, $0xb8;
	[tilespmem:$0x19000] =	vst v63  }
0x68: {  	_ =	swait.ge [sflag:s22], $0x2000  }
0x69: {  	[sflag:s22] =	ssyncset.done $0x0  }
0x6a: {  	s7 =	simm.s32 $0x13000;
	s0 =	rddreg [dreg:$0x11];
	[sflag:s22] =	ssyncadd.s32 $0xFFFFE000  }
0x6b: {  	[hbm4b:s0+s4] =	stream.linear.scatter [tilespmem:s7], [sflag:$0x12], $0x2000, $0x38;
	[tilespmem:$0x19000] =	vst v63  }
0x6c: {  	_ =	swait.ge [sflag:s23], $0x2000  }
0x6d: {  	[sflag:s23] =	ssyncset.done $0x0  }
0x6e: {  	s7 =	simm.s32 $0x680;
	[sflag:s23] =	ssyncadd.s32 $0xFFFFE000  }
0x6f: {  	[tilespmem:s15], [sflag:$0x4] =	stream.indirect.gather [hbm4b:s2+s29], $0x80, s7, s29, $0xb8;
	[tilespmem:$0x19000] =	vst v63  }
0x70: {  	_ =	swait.ge [sflag:s24], $0x2000  }
0x71: {  	[sflag:s24] =	ssyncset.done $0x0  }
0x72: {  	s7 =	simm.s32 $0x15000;
	s0 =	rddreg [dreg:$0x12];
	[sflag:s24] =	ssyncadd.s32 $0xFFFFE000  }
0x73: {  	[hbm4b:s0+s4] =	stream.linear.scatter [tilespmem:s7], [sflag:$0x13], $0x2000, $0x38;
	[tilespmem:$0x19000] =	vst v63  }
0x74: {  	_ =	swait.ge [sflag:s25], $0x2000  }
0x75: {  	[sflag:s25] =	ssyncset.done $0x0  }
0x76: {  	s17 =	simm.s32 $0xD000;
	s7 =	simm.s32 $0x700;
	[sflag:s25] =	ssyncadd.s32 $0xFFFFE000  }
0x77: {  	[tilespmem:s17], [sflag:$0x5] =	stream.indirect.gather [hbm4b:s2+s29], $0x80, s7, s29, $0xb8;
	[tilespmem:$0x19000] =	vst v63  }
0x78: {  	_ =	swait.ge [sflag:s26], $0x2000  }
0x79: {  	[sflag:s26] =	ssyncset.done $0x0  }
0x7a: {  	s17 =	simm.s32 $0x17000;
	s7 =	rddreg [dreg:$0x1e];
	[sflag:s26] =	ssyncadd.s32 $0xFFFFE000  }
0x7b: {  	[hbm4b:s7+s4] =	stream.linear.scatter [tilespmem:s17], [sflag:$0x14], $0x2000, $0x38;
	[tilespmem:$0x19000] =	vst v63  }
0x7c: {  	_ =	swait.ge [sflag:s5], $0x2000  }
0x7d: {  	[sflag:s5] =	ssyncset.done $0x0  }
0x7e: {  	s7 =	simm.s32 $0x780;
	[sflag:s5] =	ssyncadd.s32 $0xFFFFE000  }
0x7f: {  	[tilespmem:s16], [sflag:$0x6] =	stream.indirect.gather [hbm4b:s2+s29], $0x80, s7, s29, $0xb8;
	[tilespmem:$0x19000] =	vst v63  }
0x80: {  	_ =	swait.ge [sflag:s6], $0x2000  }
0x81: {  	s17 =	rddreg [dreg:$0x4];
	[sflag:s6] =	ssyncset.done $0x0  }
0x82: {  	s7 =	rddreg [dreg:$0x2]  }
0x83: {  	s0 =	sadd.s32 s7, s17  }
0x84: {  	[sflag:s6] =	ssyncadd.s32 $0xFFFFE000;
	s17 =	sadd.s32 $0x2800, s0  }
0x85: {  	[hbm4b:s17+s4] =	stream.linear.scatter [tilespmem:s12], [sflag:$0xB], $0x2000, $0x38;
	[tilespmem:$0x19000] =	vst v63  }
0x86: {  	_ =	swait.ge [sflag:s28], $0x2000  }
0x87: {  	[sflag:s28] =	ssyncset.done $0x0  }
0x88: {  	s6 =	simm.s32 $0x800;
	s17 =	simm.s32 $0x11000;
	[sflag:s28] =	ssyncadd.s32 $0xFFFFE000  }
0x89: {  	[tilespmem:s17], [sflag:$0x7] =	stream.indirect.gather [hbm4b:s2+s29], $0x80, s6, s29, $0xb8;
	[tilespmem:$0x19000] =	vst v63  }
0x8a: {  	_ =	swait.ge [sflag:s18], $0x2000  }
0x8b: {  	[sflag:s18] =	ssyncset.done $0x0  }
0x8c: {  	[sflag:s18] =	ssyncadd.s32 $0xFFFFE000;
	s18 =	sadd.s32 $0x2C00, s0  }
0x8d: {  	[hbm4b:s18+s4] =	stream.linear.scatter [tilespmem:s13], [sflag:$0xC], $0x2000, $0x38;
	[tilespmem:$0x19000] =	vst v63  }
0x8e: {  	_ =	swait.ge [sflag:s3], $0x2000  }
0x8f: {  	[sflag:s3] =	ssyncset.done $0x0  }
0x90: {  	s6 =	simm.s32 $0x880;
	s18 =	simm.s32 $0x13000;
	[sflag:s3] =	ssyncadd.s32 $0xFFFFE000  }
0x91: {  	[tilespmem:s18], [sflag:$0x8] =	stream.indirect.gather [hbm4b:s2+s29], $0x80, s6, s29, $0xb8;
	[tilespmem:$0x19000] =	vst v63  }
0x92: {  	_ =	swait.ge [sflag:s19], $0x2000  }
0x93: {  	[sflag:s19] =	ssyncset.done $0x0  }
0x94: {  	s18 =	sadd.s32 $0x3000, s0;
	[sflag:s19] =	ssyncadd.s32 $0xFFFFE000  }
0x95: {  	[hbm4b:s18+s4] =	stream.linear.scatter [tilespmem:s14], [sflag:$0xD], $0x2000, $0x38;
	[tilespmem:$0x19000] =	vst v63  }
0x96: {  	_ =	swait.ge [sflag:s30], $0x2000  }
0x97: {  	[sflag:s30] =	ssyncset.done $0x0  }
0x98: {  	s19 =	simm.s32 $0x900;
	s18 =	simm.s32 $0x15000;
	[sflag:s30] =	ssyncadd.s32 $0xFFFFE000  }
0x99: {  	[tilespmem:s18], [sflag:$0x9] =	stream.indirect.gather [hbm4b:s2+s29], $0x80, s19, s29, $0xb8;
	[tilespmem:$0x19000] =	vst v63  }
0x9a: {  	_ =	swait.ge [sflag:s31], $0x2000  }
0x9b: {  	[sflag:s31] =	ssyncset.done $0x0  }
0x9c: {  	s19 =	sadd.s32 $0x3400, s0;
	[sflag:s31] =	ssyncadd.s32 $0xFFFFE000  }
0x9d: {  	[hbm4b:s19+s4] =	stream.linear.scatter [tilespmem:s15], [sflag:$0xE], $0x2000, $0x38;
	[tilespmem:$0x19000] =	vst v63  }
0x9e: {  	_ =	swait.ge [sflag:s1], $0x2000  }
0x9f: {  	[sflag:s1] =	ssyncset.done $0x0  }
0xa0: {  	s6 =	simm.s32 $0x980;
	s19 =	simm.s32 $0x17000;
	[sflag:s1] =	ssyncadd.s32 $0xFFFFE000  }
0xa1: {  	[tilespmem:s19], [sflag:$0xA] =	stream.indirect.gather [hbm4b:s2+s29], $0x80, s6, s29, $0xb8;
	[tilespmem:$0x19000] =	vst v63  }
0xa2: {  	_ =	swait.ge [sflag:s8], $0x2000  }
0xa3: {  	[sflag:s8] =	ssyncset.done $0x0  }
0xa4: {  	s6 =	sadd.s32 $0x3800, s0;
	[sflag:s8] =	ssyncadd.s32 $0xFFFFE000;
	s8 =	simm.s32 $0xD000  }
0xa5: {  	[hbm4b:s6+s4] =	stream.linear.scatter [tilespmem:s8], [sflag:$0xF], $0x2000, $0x38;
	[tilespmem:$0x19000] =	vst v63  }
0xa6: {  	_ =	swait.ge [sflag:s9], $0x2000  }
0xa7: {  	[sflag:s9] =	ssyncset.done $0x0  }
0xa8: {  	[sflag:s9] =	ssyncadd.s32 $0xFFFFE000;
	s9 =	simm.s32 $0xA00  }
0xa9: {  	[tilespmem:s12], [sflag:$0x1] =	stream.indirect.gather [hbm4b:s2+s29], $0x80, s9, s29, $0xb8;
	[tilespmem:$0x19000] =	vst v63  }
0xaa: {  	_ =	swait.ge [sflag:s10], $0x2000  }
0xab: {  	[sflag:s10] =	ssyncset.done $0x0  }
0xac: {  	s0 =	sadd.s32 $0x3C00, s0;
	[sflag:s10] =	ssyncadd.s32 $0xFFFFE000  }
0xad: {  	[hbm4b:s0+s4] =	stream.linear.scatter [tilespmem:s16], [sflag:$0x10], $0x2000, $0x38;
	[tilespmem:$0x19000] =	vst v63  }
0xae: {  	_ =	swait.ge [sflag:s11], $0x2000  }
0xaf: {  	[sflag:s11] =	ssyncset.done $0x0  }
0xb0: {  	s9 =	simm.s32 $0xA80;
	[sflag:s11] =	ssyncadd.s32 $0xFFFFE000  }
0xb1: {  	[tilespmem:s13], [sflag:$0x2] =	stream.indirect.gather [hbm4b:s2+s29], $0x80, s9, s29, $0xb8;
	[tilespmem:$0x19000] =	vst v63  }
0xb2: {  	_ =	swait.ge [sflag:s20], $0x2000  }
0xb3: {  	s10 =	rddreg [dreg:$0x8];
	[sflag:s20] =	ssyncset.done $0x0  }
0xb4: {  	s17 =	simm.s32 $0x11000;
	[sflag:s20] =	ssyncadd.s32 $0xFFFFE000;
	s0 =	sadd.s32 s7, s10  }
0xb5: {  	[hbm4b:s0+s4] =	stream.linear.scatter [tilespmem:s17], [sflag:$0x11], $0x2000, $0x38;
	[tilespmem:$0x19000] =	vst v63  }
0xb6: {  	_ =	swait.ge [sflag:s21], $0x2000  }
0xb7: {  	[sflag:s21] =	ssyncset.done $0x0  }
0xb8: {  	s11 =	simm.s32 $0xB00;
	[sflag:s21] =	ssyncadd.s32 $0xFFFFE000  }
0xb9: {  	[tilespmem:s14], [sflag:$0x3] =	stream.indirect.gather [hbm4b:s2+s29], $0x80, s11, s29, $0xb8;
	[tilespmem:$0x19000] =	vst v63  }
0xba: {  	_ =	swait.ge [sflag:s22], $0x2000  }
0xbb: {  	s12 =	rddreg [dreg:$0x7];
	[sflag:s22] =	ssyncset.done $0x0  }
0xbc: {  	s13 =	simm.s32 $0x13000;
	[sflag:s22] =	ssyncadd.s32 $0xFFFFE000;
	s0 =	sadd.s32 s7, s12  }
0xbd: {  	[hbm4b:s0+s4] =	stream.linear.scatter [tilespmem:s13], [sflag:$0x12], $0x2000, $0x38;
	[tilespmem:$0x19000] =	vst v63  }
0xbe: {  	_ =	swait.ge [sflag:s23], $0x2000  }
0xbf: {  	[sflag:s23] =	ssyncset.done $0x0  }
0xc0: {  	s14 =	simm.s32 $0xB80;
	[sflag:s23] =	ssyncadd.s32 $0xFFFFE000  }
0xc1: {  	[tilespmem:s15], [sflag:$0x4] =	stream.indirect.gather [hbm4b:s2+s29], $0x80, s14, s29, $0xb8;
	[tilespmem:$0x19000] =	vst v63  }
0xc2: {  	_ =	swait.ge [sflag:s24], $0x2000  }
0xc3: {  	s16 =	rddreg [dreg:$0x6];
	[sflag:s24] =	ssyncset.done $0x0  }
0xc4: {  	[sflag:s24] =	ssyncadd.s32 $0xFFFFE000;
	s0 =	sadd.s32 s7, s16  }
0xc5: {  	[hbm4b:s0+s4] =	stream.linear.scatter [tilespmem:s18], [sflag:$0x13], $0x2000, $0x38;
	[tilespmem:$0x19000] =	vst v63  }
0xc6: {  	_ =	swait.ge [sflag:s25], $0x2000  }
0xc7: {  	[sflag:s25] =	ssyncset.done $0x0  }
0xc8: {  	s17 =	simm.s32 $0xC00;
	[sflag:s25] =	ssyncadd.s32 $0xFFFFE000  }
0xc9: {  	[tilespmem:s8], [sflag:$0x5] =	stream.indirect.gather [hbm4b:s2+s29], $0x80, s17, s29, $0xb8;
	[tilespmem:$0x19000] =	vst v63  }
0xca: {  	_ =	swait.ge [sflag:s26], $0x2000  }
0xcb: {  	s18 =	rddreg [dreg:$0x5];
	[sflag:s26] =	ssyncset.done $0x0  }
0xcc: {  	s19 =	simm.s32 $0x17000;
	[sflag:s26] =	ssyncadd.s32 $0xFFFFE000;
	s0 =	sadd.s32 s7, s18  }
0xcd: {  	[hbm4b:s0+s4] =	stream.linear.scatter [tilespmem:s19], [sflag:$0x14], $0x2000, $0x38;
	[tilespmem:$0x19000] =	vst v63  }
0xce: {  	_ =	swait.ge [sflag:s5], $0x2000  }
0xcf: {  	s31 =	simm.s32 $0x1400;
	[sflag:s5] =	ssyncset.done $0x0  }
0xd0: {  	s6 =	simm.s32 $0xC80;
	s0 =	sadd.s32 $0x2800, s7;
	[sflag:s5] =	ssyncadd.s32 $0xFFFFE000  }
.LBB2_2:
0xd1: {  	s15 =	simm.s32 $0xF000;
	s8 =	simm.s32 $0x1  }
0xd2: {  	[tilespmem:s15], [sflag:$0x6] =	stream.indirect.gather [hbm4b:s2+s29], $0x80, s6, s29, $0xb8;
	[tilespmem:$0x19000] =	vst v63  }
0xd3: {  	_ =	swait.ge [sflag:s8], $0x2000  }
0xd4: {  	s7 =	rddreg [dreg:$0x4]  }
0xd5: {  	[sflag:s8] =	ssyncset.done $0x0;
	s7 =	sadd.s32 s0, s7  }
0xd6: {  	s10 =	simm.s32 $0x5000;
	[sflag:s8] =	ssyncadd.s32 $0xFFFFE000;
	s12 =	sadd.s32 $0x2800, s7  }
0xd7: {  	[hbm4b:s12+s4] =	stream.linear.scatter [tilespmem:s10], [sflag:$0xB], $0x2000, $0x38;
	[tilespmem:$0x19000] =	vst v63  }
0xd8: {  	s11 =	smov.u32 s31;
	_ =	swait.ge [sflag:s28], $0x2000  }
0xd9: {  	s16 =	simm.s32 $0x11000;
	s6 =	sshra.s32 s11, $0x2;
	[sflag:s28] =	ssyncset.done $0x0  }
0xda: {  	s14 =	simm.s32 $0x2;
	s13 =	sadd.s32 $0x800, s6;
	[sflag:s28] =	ssyncadd.s32 $0xFFFFE000  }
0xdb: {  	[tilespmem:s16], [sflag:$0x7] =	stream.indirect.gather [hbm4b:s2+s29], $0x80, s13, s29, $0xb8;
	[tilespmem:$0x19000] =	vst v63  }
0xdc: {  	_ =	swait.ge [sflag:s14], $0x2000  }
0xdd: {  	[sflag:s14] =	ssyncset.done $0x0  }
0xde: {  	s11 =	simm.s32 $0x7000;
	s17 =	sadd.s32 $0x2C00, s7;
	[sflag:s14] =	ssyncadd.s32 $0xFFFFE000  }
0xdf: {  	[hbm4b:s17+s4] =	stream.linear.scatter [tilespmem:s11], [sflag:$0xC], $0x2000, $0x38;
	[tilespmem:$0x19000] =	vst v63  }
0xe0: {  	_ =	swait.ge [sflag:s3], $0x2000  }
0xe1: {  	s19 =	simm.s32 $0x3;
	[sflag:s3] =	ssyncset.done $0x0  }
0xe2: {  	s18 =	sadd.s32 $0x880, s6;
	s17 =	simm.s32 $0x13000;
	[sflag:s3] =	ssyncadd.s32 $0xFFFFE000  }
0xe3: {  	[tilespmem:s17], [sflag:$0x8] =	stream.indirect.gather [hbm4b:s2+s29], $0x80, s18, s29, $0xb8;
	[tilespmem:$0x19000] =	vst v63  }
0xe4: {  	_ =	swait.ge [sflag:s19], $0x2000  }
0xe5: {  	[sflag:s19] =	ssyncset.done $0x0  }
0xe6: {  	s9 =	sadd.s32 $0x3000, s7;
	s12 =	simm.s32 $0x9000;
	[sflag:s19] =	ssyncadd.s32 $0xFFFFE000  }
0xe7: {  	[hbm4b:s9+s4] =	stream.linear.scatter [tilespmem:s12], [sflag:$0xD], $0x2000, $0x38;
	[tilespmem:$0x19000] =	vst v63  }
0xe8: {  	_ =	swait.ge [sflag:s30], $0x2000  }
0xe9: {  	s13 =	sadd.s32 $0x900, s6;
	[sflag:s30] =	ssyncset.done $0x0  }
0xea: {  	s14 =	simm.s32 $0x4;
	s18 =	simm.s32 $0x15000;
	[sflag:s30] =	ssyncadd.s32 $0xFFFFE000  }
0xeb: {  	[tilespmem:s18], [sflag:$0x9] =	stream.indirect.gather [hbm4b:s2+s29], $0x80, s13, s29, $0xb8;
	[tilespmem:$0x19000] =	vst v63  }
0xec: {  	_ =	swait.ge [sflag:s14], $0x2000  }
0xed: {  	[sflag:s14] =	ssyncset.done $0x0  }
0xee: {  	s19 =	sadd.s32 $0x3400, s7;
	s13 =	simm.s32 $0xB000;
	[sflag:s14] =	ssyncadd.s32 $0xFFFFE000  }
0xef: {  	[hbm4b:s19+s4] =	stream.linear.scatter [tilespmem:s13], [sflag:$0xE], $0x2000, $0x38;
	[tilespmem:$0x19000] =	vst v63  }
0xf0: {  	_ =	swait.ge [sflag:s1], $0x2000  }
0xf1: {  	s9 =	sadd.s32 $0x980, s6;
	[sflag:s1] =	ssyncset.done $0x0  }
0xf2: {  	s14 =	simm.s32 $0x5;
	s19 =	simm.s32 $0x17000;
	[sflag:s1] =	ssyncadd.s32 $0xFFFFE000  }
0xf3: {  	[tilespmem:s19], [sflag:$0xA] =	stream.indirect.gather [hbm4b:s2+s29], $0x80, s9, s29, $0xb8;
	[tilespmem:$0x19000] =	vst v63  }
0xf4: {  	_ =	swait.ge [sflag:s14], $0x2000  }
0xf5: {  	[sflag:s14] =	ssyncset.done $0x0  }
0xf6: {  	s9 =	sadd.s32 $0x3800, s7;
	[sflag:s14] =	ssyncadd.s32 $0xFFFFE000;
	s14 =	simm.s32 $0xD000  }
0xf7: {  	[hbm4b:s9+s4] =	stream.linear.scatter [tilespmem:s14], [sflag:$0xF], $0x2000, $0x38;
	[tilespmem:$0x19000] =	vst v63  }
0xf8: {  	s9 =	simm.s32 $0xB  }
0xf9: {  	_ =	swait.ge [sflag:s9], $0x2000  }
0xfa: {  	[sflag:s9] =	ssyncset.done $0x0  }
0xfb: {  	s8 =	sadd.s32 $0xA00, s6;
	[sflag:s9] =	ssyncadd.s32 $0xFFFFE000  }
0xfc: {  	[tilespmem:s10], [sflag:$0x1] =	stream.indirect.gather [hbm4b:s2+s29], $0x80, s8, s29, $0xb8;
	[tilespmem:$0x19000] =	vst v63  }
0xfd: {  	s10 =	simm.s32 $0x6  }
0xfe: {  	_ =	swait.ge [sflag:s10], $0x2000  }
0xff: {  	[sflag:s10] =	ssyncset.done $0x0  }
0x100: {  	s7 =	sadd.s32 $0x3C00, s7;
	[sflag:s10] =	ssyncadd.s32 $0xFFFFE000;
	s10 =	simm.s32 $0xC  }
0x101: {  	[hbm4b:s7+s4] =	stream.linear.scatter [tilespmem:s15], [sflag:$0x10], $0x2000, $0x38;
	[tilespmem:$0x19000] =	vst v63  }
0x102: {  	_ =	swait.ge [sflag:s10], $0x2000  }
0x103: {  	[sflag:s10] =	ssyncset.done $0x0  }
0x104: {  	s15 =	sadd.s32 $0xA80, s6;
	[sflag:s10] =	ssyncadd.s32 $0xFFFFE000  }
0x105: {  	[tilespmem:s11], [sflag:$0x2] =	stream.indirect.gather [hbm4b:s2+s29], $0x80, s15, s29, $0xb8;
	[tilespmem:$0x19000] =	vst v63  }
0x106: {  	_ =	swait.ge [sflag:s20], $0x2000  }
0x107: {  	s10 =	rddreg [dreg:$0x8];
	[sflag:s20] =	ssyncset.done $0x0  }
0x108: {  	[sflag:s20] =	ssyncadd.s32 $0xFFFFE000;
	s7 =	sadd.s32 s0, s10  }
0x109: {  	[hbm4b:s7+s4] =	stream.linear.scatter [tilespmem:s16], [sflag:$0x11], $0x2000, $0x38;
	[tilespmem:$0x19000] =	vst v63  }
0x10a: {  	_ =	swait.ge [sflag:s21], $0x2000  }
0x10b: {  	[sflag:s21] =	ssyncset.done $0x0  }
0x10c: {  	s11 =	sadd.s32 $0xB00, s6;
	[sflag:s21] =	ssyncadd.s32 $0xFFFFE000  }
0x10d: {  	[tilespmem:s12], [sflag:$0x3] =	stream.indirect.gather [hbm4b:s2+s29], $0x80, s11, s29, $0xb8;
	[tilespmem:$0x19000] =	vst v63  }
0x10e: {  	_ =	swait.ge [sflag:s22], $0x2000  }
0x10f: {  	s12 =	rddreg [dreg:$0x7];
	[sflag:s22] =	ssyncset.done $0x0  }
0x110: {  	[sflag:s22] =	ssyncadd.s32 $0xFFFFE000;
	s7 =	sadd.s32 s0, s12  }
0x111: {  	[hbm4b:s7+s4] =	stream.linear.scatter [tilespmem:s17], [sflag:$0x12], $0x2000, $0x38;
	[tilespmem:$0x19000] =	vst v63  }
0x112: {  	_ =	swait.ge [sflag:s23], $0x2000  }
0x113: {  	[sflag:s23] =	ssyncset.done $0x0  }
0x114: {  	s15 =	sadd.s32 $0xB80, s6;
	[sflag:s23] =	ssyncadd.s32 $0xFFFFE000  }
0x115: {  	[tilespmem:s13], [sflag:$0x4] =	stream.indirect.gather [hbm4b:s2+s29], $0x80, s15, s29, $0xb8;
	[tilespmem:$0x19000] =	vst v63  }
0x116: {  	_ =	swait.ge [sflag:s24], $0x2000  }
0x117: {  	s16 =	rddreg [dreg:$0x6];
	[sflag:s24] =	ssyncset.done $0x0  }
0x118: {  	[sflag:s24] =	ssyncadd.s32 $0xFFFFE000;
	s7 =	sadd.s32 s0, s16  }
0x119: {  	[hbm4b:s7+s4] =	stream.linear.scatter [tilespmem:s18], [sflag:$0x13], $0x2000, $0x38;
	[tilespmem:$0x19000] =	vst v63  }
0x11a: {  	_ =	swait.ge [sflag:s25], $0x2000  }
0x11b: {  	[sflag:s25] =	ssyncset.done $0x0  }
0x11c: {  	s17 =	sadd.s32 $0xC00, s6;
	[sflag:s25] =	ssyncadd.s32 $0xFFFFE000  }
0x11d: {  	[tilespmem:s14], [sflag:$0x5] =	stream.indirect.gather [hbm4b:s2+s29], $0x80, s17, s29, $0xb8;
	[tilespmem:$0x19000] =	vst v63  }
0x11e: {  	p0 =	sne.s32 s31, $0x10400;
	s31 =	sadd.s32 $0x1400, s31;
	_ =	swait.ge [sflag:s26], $0x2000  }
0x11f: {  	s9 =	simm.s32 $0x5000;
	s18 =	rddreg [dreg:$0x5];
	[sflag:s26] =	ssyncset.done $0x0  }
.Ltmp0:
0x120: {  	[sflag:s26] =	ssyncadd.s32 $0xFFFFE000;
	s7 =	sadd.s32 s0, s18;
	(pc) =	sbr.rel @p0 .LBB2_2-.Ltmp0, $4  }
0x121: {  	[hbm4b:s7+s4] =	stream.linear.scatter [tilespmem:s19], [sflag:$0x14], $0x2000, $0x38;
	[tilespmem:$0x19000] =	vst v63  }
0x122: {  	s8 =	simm.s32 $0x7000;
	s10 =	simm.s32 $0x9000;
	_ =	swait.ge [sflag:s5], $0x2000  }
0x123: {  	s11 =	simm.s32 $0xB000;
	s12 =	simm.s32 $0xD000;
	[sflag:s5] =	ssyncset.done $0x0  }
0x124: {  	s6 =	sadd.s32 $0xC80, s6;
	s0 =	sadd.s32 $0x2800, s0;
	[sflag:s5] =	ssyncadd.s32 $0xFFFFE000  }
0x125: {  	s7 =	simm.s32 $0xF000;
	s0 =	simm.s32 $0x1  }
0x126: {  	[tilespmem:s7], [sflag:$0x6] =	stream.indirect.gather [hbm4b:s2+s29], $0x80, s6, s29, $0xb8;
	[tilespmem:$0x19000] =	vst v63  }
0x127: {  	_ =	swait.ge [sflag:s0], $0x2000  }
0x128: {  	[sflag:s0] =	ssyncset.done $0x0  }
0x129: {  	s15 =	rddreg [dreg:$0x13];
	[sflag:s0] =	ssyncadd.s32 $0xFFFFE000  }
0x12a: {  	[hbm4b:s15+s4] =	stream.linear.scatter [tilespmem:s9], [sflag:$0xB], $0x2000, $0x38;
	[tilespmem:$0x19000] =	vst v63  }
0x12b: {  	_ =	swait.ge [sflag:s28], $0x2000  }
0x12c: {  	s16 =	simm.s32 $0x4E00;
	[sflag:s28] =	ssyncset.done $0x0  }
0x12d: {  	s17 =	simm.s32 $0x2;
	s6 =	simm.s32 $0x11000;
	[sflag:s28] =	ssyncadd.s32 $0xFFFFE000  }
0x12e: {  	[tilespmem:s6], [sflag:$0x7] =	stream.indirect.gather [hbm4b:s2+s29], $0x80, s16, s29, $0xb8;
	[tilespmem:$0x19000] =	vst v63  }
0x12f: {  	_ =	swait.ge [sflag:s17], $0x2000  }
0x130: {  	[sflag:s17] =	ssyncset.done $0x0  }
0x131: {  	s18 =	rddreg [dreg:$0x14];
	[sflag:s17] =	ssyncadd.s32 $0xFFFFE000  }
0x132: {  	[hbm4b:s18+s4] =	stream.linear.scatter [tilespmem:s8], [sflag:$0xC], $0x2000, $0x38;
	[tilespmem:$0x19000] =	vst v63  }
0x133: {  	_ =	swait.ge [sflag:s3], $0x2000  }
0x134: {  	s19 =	simm.s32 $0x4E80;
	[sflag:s3] =	ssyncset.done $0x0  }
0x135: {  	s31 =	simm.s32 $0x3;
	s8 =	simm.s32 $0x13000;
	[sflag:s3] =	ssyncadd.s32 $0xFFFFE000  }
0x136: {  	[tilespmem:s8], [sflag:$0x8] =	stream.indirect.gather [hbm4b:s2+s29], $0x80, s19, s29, $0xb8;
	[tilespmem:$0x19000] =	vst v63  }
0x137: {  	_ =	swait.ge [sflag:s31], $0x2000  }
0x138: {  	[sflag:s31] =	ssyncset.done $0x0  }
0x139: {  	s9 =	rddreg [dreg:$0x15];
	[sflag:s31] =	ssyncadd.s32 $0xFFFFE000  }
0x13a: {  	[hbm4b:s9+s4] =	stream.linear.scatter [tilespmem:s10], [sflag:$0xD], $0x2000, $0x38;
	[tilespmem:$0x19000] =	vst v63  }
0x13b: {  	_ =	swait.ge [sflag:s30], $0x2000  }
0x13c: {  	s14 =	simm.s32 $0x4F00;
	[sflag:s30] =	ssyncset.done $0x0  }
0x13d: {  	s15 =	simm.s32 $0x4;
	s10 =	simm.s32 $0x15000;
	[sflag:s30] =	ssyncadd.s32 $0xFFFFE000  }
0x13e: {  	[tilespmem:s10], [sflag:$0x9] =	stream.indirect.gather [hbm4b:s2+s29], $0x80, s14, s29, $0xb8;
	[tilespmem:$0x19000] =	vst v63  }
0x13f: {  	_ =	swait.ge [sflag:s15], $0x2000  }
0x140: {  	[sflag:s15] =	ssyncset.done $0x0  }
0x141: {  	s16 =	rddreg [dreg:$0x16];
	[sflag:s15] =	ssyncadd.s32 $0xFFFFE000  }
0x142: {  	[hbm4b:s16+s4] =	stream.linear.scatter [tilespmem:s11], [sflag:$0xE], $0x2000, $0x38;
	[tilespmem:$0x19000] =	vst v63  }
0x143: {  	_ =	swait.ge [sflag:s1], $0x2000  }
0x144: {  	s17 =	simm.s32 $0x17000;
	[sflag:s1] =	ssyncset.done $0x0  }
0x145: {  	s18 =	simm.s32 $0x4F80;
	s19 =	simm.s32 $0x5;
	[sflag:s1] =	ssyncadd.s32 $0xFFFFE000  }
0x146: {  	[tilespmem:s17], [sflag:$0xA] =	stream.indirect.gather [hbm4b:s2+s29], $0x80, s18, s29, $0xb8;
	[tilespmem:$0x19000] =	vst v63  }
0x147: {  	_ =	swait.ge [sflag:s19], $0x2000  }
0x148: {  	[sflag:s19] =	ssyncset.done $0x0  }
0x149: {  	s11 =	simm.s32 $0x6;
	s31 =	rddreg [dreg:$0x17];
	[sflag:s19] =	ssyncadd.s32 $0xFFFFE000  }
0x14a: {  	[hbm4b:s31+s4] =	stream.linear.scatter [tilespmem:s12], [sflag:$0xF], $0x2000, $0x38;
	[tilespmem:$0x19000] =	vst v63  }
0x14b: {  	_ =	swait.ge [sflag:s11], $0x2000  }
0x14c: {  	[sflag:s11] =	ssyncset.done $0x0  }
0x14d: {  	s12 =	rddreg [dreg:$0x18];
	[sflag:s11] =	ssyncadd.s32 $0xFFFFE000  }
0x14e: {  	[hbm4b:s12+s4] =	stream.linear.scatter [tilespmem:s7], [sflag:$0x10], $0x2000, $0x38;
	[tilespmem:$0x19000] =	vst v63  }
0x14f: {  	_ =	swait.ge [sflag:s20], $0x2000  }
0x150: {  	[sflag:s20] =	ssyncset.done $0x0  }
0x151: {  	s13 =	rddreg [dreg:$0x19];
	[sflag:s20] =	ssyncadd.s32 $0xFFFFE000  }
0x152: {  	[hbm4b:s13+s4] =	stream.linear.scatter [tilespmem:s6], [sflag:$0x11], $0x2000, $0x38;
	[tilespmem:$0x19000] =	vst v63  }
0x153: {  	_ =	swait.ge [sflag:s22], $0x2000  }
0x154: {  	[sflag:s22] =	ssyncset.done $0x0  }
0x155: {  	s14 =	rddreg [dreg:$0x1a];
	[sflag:s22] =	ssyncadd.s32 $0xFFFFE000  }
0x156: {  	[hbm4b:s14+s4] =	stream.linear.scatter [tilespmem:s8], [sflag:$0x12], $0x2000, $0x38;
	[tilespmem:$0x19000] =	vst v63  }
0x157: {  	_ =	swait.ge [sflag:s24], $0x2000  }
0x158: {  	[sflag:s24] =	ssyncset.done $0x0  }
0x159: {  	s15 =	rddreg [dreg:$0x1b];
	[sflag:s24] =	ssyncadd.s32 $0xFFFFE000  }
0x15a: {  	[hbm4b:s15+s4] =	stream.linear.scatter [tilespmem:s10], [sflag:$0x13], $0x2000, $0x38;
	[tilespmem:$0x19000] =	vst v63  }
0x15b: {  	_ =	swait.ge [sflag:s26], $0x2000  }
0x15c: {  	[sflag:s26] =	ssyncset.done $0x0  }
0x15d: {  	s16 =	rddreg [dreg:$0x1c];
	[sflag:s26] =	ssyncadd.s32 $0xFFFFE000  }
0x15e: {  	[hbm4b:s16+s4] =	stream.linear.scatter [tilespmem:s17], [sflag:$0x14], $0x2000, $0x38;
	[tilespmem:$0x19000] =	vst v63  }
0x15f: {  	s17 =	simm.s32 $0xB  }
0x160: {  	_ =	swait.ge [sflag:s17], $0x2000  }
0x161: {  	[sflag:s17] =	ssyncset.done $0x0  }
0x162: {  	s18 =	simm.s32 $0xC;
	[sflag:s17] =	ssyncadd.s32 $0xFFFFE000  }
0x163: {  	_ =	swait.ge [sflag:s18], $0x2000  }
0x164: {  	[sflag:s18] =	ssyncset.done $0x0  }
0x165: {  	[sflag:s18] =	ssyncadd.s32 $0xFFFFE000  }
0x166: {  	_ =	swait.ge [sflag:s21], $0x2000  }
0x167: {  	[sflag:s21] =	ssyncset.done $0x0  }
0x168: {  	[sflag:s21] =	ssyncadd.s32 $0xFFFFE000  }
0x169: {  	_ =	swait.ge [sflag:s23], $0x2000  }
0x16a: {  	[sflag:s23] =	ssyncset.done $0x0  }
0x16b: {  	[sflag:s23] =	ssyncadd.s32 $0xFFFFE000  }
0x16c: {  	_ =	swait.ge [sflag:s25], $0x2000  }
0x16d: {  	[sflag:s25] =	ssyncset.done $0x0  }
0x16e: {  	[sflag:s25] =	ssyncadd.s32 $0xFFFFE000  }
0x16f: {  	_ =	swait.ge [sflag:s5], $0x2000  }
0x170: {  	[sflag:s5] =	ssyncset.done $0x0  }
0x171: {  	[sflag:s5] =	ssyncadd.s32 $0xFFFFE000  }
0x172: {  	_ =	swait.ge [sflag:s28], $0x2000  }
0x173: {  	[sflag:s28] =	ssyncset.done $0x0  }
0x174: {  	[sflag:s28] =	ssyncadd.s32 $0xFFFFE000  }
0x175: {  	_ =	swait.ge [sflag:s3], $0x2000  }
0x176: {  	[sflag:s3] =	ssyncset.done $0x0  }
0x177: {  	[sflag:s3] =	ssyncadd.s32 $0xFFFFE000  }
0x178: {  	_ =	swait.ge [sflag:s30], $0x2000  }
0x179: {  	[sflag:s30] =	ssyncset.done $0x0  }
0x17a: {  	[sflag:s30] =	ssyncadd.s32 $0xFFFFE000  }
0x17b: {  	_ =	swait.ge [sflag:s1], $0x2000  }
0x17c: {  	s19 =	rddreg [dreg:$0x1f]  }
0x17d: {  	s31 =	rddreg [dreg:$0x1d];
	s6 =	sadd.s32 $0x1, s19  }
0x17e: {  	p0 =	sne.s32 s6, s31  }
.Ltmp1:
0x17f: {  	_ = 	snop;
	(pc) =	sbr.rel @p0 .LBB2_1-.Ltmp1, $3  }
0x180: {  	_ =	sdelay $0x1  }
0x181: {  	[sflag:s1] =	ssyncset.done $0x0  }
0x182: {  	[sflag:s1] =	ssyncadd.s32 $0xFFFFE000  }
0x183: {  	_ =	sfence.sel $0x180000  }
0x184: {  	[bflag:$0x0] =	sbarrier.arrive $0xFFFF  }
0x185: {  	_ =	strace $0x90000047  }
0x186: {  	s0 =	stileid.u32;
	[bflag:$0x2] =	sbarrier.arrive $0xFFFF  }
0x187: {  	p0 =	sne.s32 s0, $0x0;
	s0 =	rddreg [dreg:$0x3]  }
0x188: {  	s0 =	sadd.s32 @!p0 $0x100000, s0  }
0x189: {  	[sflag:s0] =	ssyncadd.tile.s32 @!p0 $0x1;
	_ =	shalt  }
.Lfunc_end2:
_tile_overlayer_lowered:
.L_overlay_start_2:
0x18a: {  	(tag) =	ssettag $0x2  }
0x18b: {  	s0 =	rddreg [dreg:$0x0];
	s2 =	stileid.u32  }
0x18c: {  	s1 =	rddreg [dreg:$0x1];
	p0 =	sne.s32 s2, $0x0  }
0x18d: {  	s3 =	rddreg [dreg:$0x2];
	[bflag:$0x3] =	sbarrier.arrive $0xFFFF;
	s2 =	simm.s32 @!p0 $0x1C15  }
0x18e: {  	[timem:s3], [sflag:s2] =	dma.local @!p0 [hbm:s0], s1  }
0x18f: {  	s0 =	simm.s32 @!p0 $0x15  }
0x190: {  	_ =	swait.ge @!p0 [sflag:s0], s1  }
0x191: {  	s1 =	ssub.s32 @!p0 $0x0, s1;
	[sflag:s0] =	ssyncset.done @!p0 $0x0  }
0x192: {  	[sflag:s0] =	ssyncadd.s32 @!p0 s1  }
0x193: {  	[bflag:$0x3] =	sbarrier.arrive $0xFFFF  }
0x194: {  	_ =	shalt  }

// kernel: sparse-core-data-format-call.cloned.1.call-start
scs
called_computation_lowered:
.L_overlay_start_0:
0x0: {  	s2 =	sld [smem:$0x3FD9]  }
0x1: {  	s3 =	sld [smem:$0x3FFE];
	_ =	sdelay $0x1  }
0x2: {  	s1 =	srdreg.scid  }
0x3: {  	s0 =	sand.u32 $0x1, s1  }
0x4: {  	s18 =	sshll.u32 s0, $0xA;
	s2 =	sadd.s32 s3, s2  }
0x5: {  	s2 =	sadd.s32 s2, s18  }
0x6: {  	[smem:$0x3FC6] =	sst s2  }
0x7: {  	_ = 	snop  }
0x8: {  	s2 =	sld [smem:$0x3FD0];
	(tm) =	ssettm $0x1  }
0x9: {  	s19 =	sld [smem:$0x3FFB];
	_ =	sdelay $0x3  }
0xa: {  	_ =	strace s19  }
0xb: {  	s3 =	sld [smem:$0x3FFC];
	_ =	sdelay $0x3  }
0xc: {  	_ =	strace s3  }
0xd: {  	s3 =	sld [smem:$0x3FFD];
	_ =	sdelay $0x3  }
0xe: {  	_ =	strace s3  }
0xf: {  	_ =	strace $0x8FFFFFFF  }
0x10: {  	s20 =	sld [smem:$0x3FDB];
	_ =	sdelay $0x1  }
0x11: {  	s4 =	simm.s32 $_scs_section_size  }
0x12: {  	s5 =	simm.s32 $_size__tile_overlayer_lowered;
	s6 =	simm.s32 $_tile_overlayer_lowered  }
0x13: {  	s23 =	simm.s32 $0x1BFF;
	s22 =	sshll.u32 s6, $0x1;
	s3 =	sadd.s32 s4, s20  }
0x14: {  	s7 =	simm.s32 $0x0;
	s21 =	sshll.u32 s5, $0x1;
	s5 =	sadd.s32 s22, s3  }
0x15: {  	[timem:s7], [sflag:s23] =	dma.local [hbm:s5], s21  }
0x16: {  	_ =	swait.ge [sflag:s23], s21  }
0x17: {  	s4 =	ssub.s32 $0x0, s21;
	[sflag:s23] =	ssyncset.done $0x0  }
0x18: {  	[sflag:s23] =	ssyncadd.s32 s4;
	_ =	sdelay $0x1  }
0x19: {  	s24 =	simm.s32 $0x1B8B  }
0x1a: {  	_ =	swait.ge [sflag:s24], $0x1  }
0x1b: {  	[sflag:s24] =	ssyncset.done $0x0  }
0x1c: {  	s26 =	simm.s32 $0x1B8E;
	s25 =	sld [smem:$0x3FFE];
	[sflag:s24] =	ssyncadd.s32 $0xFFFFFFFF  }
0x1d: {  	s27 =	simm.s32 $execute0_lowered;
	[smem:$0x3FD2] =	sst s26  }
0x1e: {  	s5 =	sshll.u32 s27, $0x1;
	_ =	strace $0x80000049;
	[dreg:$0x1] =	wrdreg $0xFFFFFFFF  }
0x1f: {  	s28 =	simm.s32 $_size_execute0_lowered;
	s3 =	sadd.s32 s3, s5;
	[dreg:$0x0] =	wrdreg $0x0  }
0x20: {  	s5 =	sshll.u32 s28, $0x1;
	[dreg:$0x2] =	wrdreg s3  }
0x21: {  	[dreg:$0x3] =	wrdreg s5  }
0x22: {  	[dreg:$0x4] =	wrdreg $0xC0  }
0x23: {  	_ =	task [dreg:s7], $0x5FFFF  }
0x24: {  	[dreg:$0x1] =	wrdreg $0xFFFFFFFF  }
0x25: {  	[dreg:$0x0] =	wrdreg $0x60  }
0x26: {  	[dreg:$0x2] =	wrdreg s25  }
0x27: {  	[dreg:$0x3] =	wrdreg s2  }
0x28: {  	[dreg:$0x4] =	wrdreg $0x9  }
0x29: {  	_ =	task.clear_ibuf [dreg:s7], $0x5FFFF;
	_ =	strace $0x90000049  }
0x2a: {  	s29 =	simm.s32 $0x9;
	_ =	strace $0x8000004B  }
0x2b: {  	_ =	swait.ge [sflag:s29], $0x1  }
0x2c: {  	[sflag:s29] =	ssyncadd.s32 $0xFFFFFFFF  }
0x2d: {  	_ =	strace $0x9000004B  }
0x2e: {  	_ =	sfence  }
0x2f: {  	s30 =	sld [smem:$0x0];
	_ =	sdelay $0x2  }
0x30: {  	s31 =	sshll.u32 s1, $0xD;
	s1 =	sshrl.u32 s1, $0x2  }
0x31: {  	s3 =	sand.u32 $0x4000, s31;
	s1 =	sadd.s32 s1, s30  }
0x32: {  	s0 =	sor.u32 s3, s0;
	s1 =	sshll.u32 s1, $0x11  }
0x33: {  	s0 =	sor.u32 s1, s0  }
0x34: {  	s0 =	sadd.s32 $0x8F2B, s0  }
0x35: {  	[sflag:s0] =	ssyncadd.remote.s32 $0x1  }
0x36: {  	_ =	sfence.sel $0xFFFF  }
0x37: {  	[dreg:$0x0] =	wrdreg $0xFFFFFFFF;
	(pc) =	sbr.abs _section_cstart, $3  }
0x38: {  	[dreg:$0x1] =	wrdreg $0xFFFFFFFF  }
0x39: {  	_ =	task.clear_ibuf [dreg:s7], $0x2FFFF;
	_ =	strace $0x9FFFFFFF  }
0x3a: {  	(tm) =	ssettm $0x7FFFFFFF  }
0x3b: {  	_ =	shalt  }
tec
execute0_lowered:
.L_overlay_start_1:
0x0: {  	(tag) =	ssettag $0x1  }
0x1: {  	s0 =	srdreg.scid  }
0x2: {  	s1 =	sshll.u32 s0, $0x4  }
0x3: {  	s0 =	stileid.u32;
	s1 =	sand.u32 $0x10, s1  }
0x4: {  	s6 =	rddreg [dreg:$0x0];
	s1 =	sor.u32 s0, s1  }
0x5: {  	s4 =	simm.s32 $0x1;
	s7 =	simm.s32 $0x2;
	s2 =	sshll.u32 s1, $0x5  }
0x6: {  	s14 =	simm.s32 $0x0;
	s8 =	simm.s32 $0x1000;
	s1 =	ssub.s32 $0x4000, s2  }
0x7: {  	s9 =	simm.s32 $0x200000;
	s10 =	simm.s32 $0x0;
	s3 =	sand.u32 $0x3E0, s1  }
0x8: {  	s15 =	simm.s32 $0x0;
	s5 =	sshrl.u32 s1, $0xA;
	p0 =	sne.s32 s3, $0x0  }
.Ltmp0:
0x9: {  	s1 =	rddreg [dreg:$0x2];
	s4 =	simm.s32 @!p0 $0x0;
	(pc) =	sbr.rel .LBB1_1-.Ltmp0, $4  }
0xa: {  	s11 =	simm.s32 $0x0;
	s3 =	rddreg [dreg:$0x1];
	s5 =	sadd.s32 s4, s5  }
0xb: {  	_ =	strace $0x8000004A;
	s4 =	simm.s32 $0x1;
	s5 =	smul.u32 $0x5, s5  }
0xc: {  	s13 =	simm.s32 $0x0;
	s6 =	sadd.s32 $0x800, s6;
	[sflag:s4] =	ssyncpa.u1 $0x0  }
0xd: {  	s12 =	smov.u32 s2;
	[sflag:s7] =	ssyncpa.u1 $0x0;
	s7 =	sadd.s32 $0x1, s5  }
.LBB1_7:
0xe: {  	s16 =	sadd.s32 $0x4, s11  }
0xf: {  	s14 =	sadd.s32 $0x400, s12;
	s18 =	smov.u32 s12;
	p1 =	sgt.s32 s16, $0x13  }
0x10: {  	s18 =	smov.u32 @p1 s14  }
0x11: {  	s16 =	simm.s32 @p1 $0x0;
	p1 =	sgt.s32 s18, $0x3FFF  }
0x12: {  	s18 =	smov.u32 @p1 s2;
	p1 =	sne.s32 s13, s7  }
.Ltmp1:
0x13: {  	p0 =	slt.u32 s13, $0x2;
	(pc) =	sbr.rel @!p1 .LBB1_8-.Ltmp1, $4  }
0x14: {  	s17 =	simm.s32 @!p0 $0x2  }
0x15: {  	s15 =	smov.u32 s12;
	s10 =	sadd.s32 $0x4000, s10;
	_ =	swait.ge @!p0 [sflag:s17], $0x4000  }
0x16: {  	s14 =	smov.u32 s11;
	[sflag:s17] =	ssyncset.done @!p0 $0x0;
	s11 =	smov.u32 s16  }
0x17: {  	s13 =	sadd.s32 $0x1, s13;
	[sflag:s17] =	ssyncadd.s32 @!p0 $0xFFFFC000;
	s12 =	smov.u32 s18  }
.LBB1_1:
0x18: {  	p0 =	sge.u32 s13, s5  }
0x19: {  	s16 =	sand.u32 @!p0 $0x1FFFFFF, s11  }
0x1a: {  	s17 =	smulhi.u32 @!p0 $0xAAAAAAB, s16;
	_ =	sdelay $0x1  }
0x1b: {  	s17 =	smul.u32 @!p0 $0x18, s17  }
0x1c: {  	s18 =	sxor.u32 @!p0 $0xFFFFFFFF, s13;
	s19 =	smul.u32 @!p0 $0x180, s12  }
0x1d: {  	s31 =	sadd.s32 $0xFFFFFFFF, s13;
	s18 =	sshll.u32 @!p0 s18, $0xE;
	s16 =	ssub.s32 @!p0 s16, s17  }
0x1e: {  	s17 =	sand.u32 @!p0 $0x4000, s18;
	s18 =	sadd.s32 @!p0 s6, s19;
	s16 =	sshll.u32 @!p0 s16, $0x4  }
0x1f: {  	s19 =	simm.s32 @!p0 $0xC00;
	s16 =	sadd.s32 @!p0 s16, s18;
	s18 =	simm.s32 @!p0 $0x200  }
0x20: {  	[tilespmem:s17], [sflag:$0x1] =	stream.strided.gather @!p0 [hbm4b:s16+s18], $0x4000, s19, s18, $0x38;
	[tilespmem:$0x10000] =	vst v63  }
0x21: {  	p0 =	sge.u32 s31, s5  }
.Ltmp2:
0x22: {  	_ = 	snop;
	(pc) =	sbr.rel @p0 .LBB1_7-.Ltmp2, $1  }
0x23: {  	_ =	sdelay $0x3  }
0x24: {  	s17 =	sand.u32 $0x4000, s10  }
0x25: {  	_ =	swait.ge [sflag:s4], $0x4000;
	s19 =	sshll.u32 s13, $0xE;
	s16 =	sor.u32 $0x8040, s17  }
0x26: {  	s18 =	sor.u32 $0x40, s17;
	[sflag:s4] =	ssyncset.done $0x0;
	s31 =	sand.u32 $0x4000, s19  }
0x27: {  	s19 =	simm.s32 $0x0;
	[sflag:s4] =	ssyncadd.s32 $0xFFFFC000;
	s17 =	sor.u32 $0x8000, s31  }
.LBB1_3:
0x28: {  	v0 =	vmov s18;
	_ =	sdelay $0x3  }
0x29: {  	s21 =	simm.s32 $0x0  }
0x2a: {  	v6 =	vld.idx.msk [tilespmem:v0+s21+$0x30 ss:$0x1], $0xffff  }
0x2b: {  	v7 =	vld.idx.msk [tilespmem:v0+s21+$0xFFFFFFC0 ss:$0x1], $0xffff  }
0x2c: {  	v5 =	vld.idx.msk [tilespmem:v0+s21+$0xFFFFFFD0 ss:$0x1], $0xffff  }
0x2d: {  	v4 =	vld.idx.msk [tilespmem:v0+s21+$0xFFFFFFE0 ss:$0x1], $0xffff  }
0x2e: {  	v3 =	vld.idx.msk [tilespmem:v0+s21+$0xFFFFFFF0 ss:$0x1], $0xffff  }
0x2f: {  	v1 =	vld.idx.msk [tilespmem:v0+s21+$0x0 ss:$0x1], $0xffff  }
0x30: {  	v2 =	vld.idx.msk [tilespmem:v0+s21+$0x10 ss:$0x1], $0xffff;
	[tilespmem:s16+$0x30] =	vst v6  }
0x31: {  	s20 =	simm.s32 $0x80;
	s22 =	simm.s32 $0x400;
	[tilespmem:s16+$0xFFFFFFC0] =	vst v7;
	v6 =	vld.idx.msk [tilespmem:v0+s21+$0x20 ss:$0x1], $0xffff;
	s21 =	smov.u32 s16  }
.LBB1_4:
0x32: {  	p0 =	sne.s32 s22, $0x600;
	v7 =	vld.idx.msk [tilespmem:v0+s20+$0x30 ss:$0x1], $0xffff;
	[tilespmem:s21+$0xFFFFFFD0] =	vst v5  }
0x33: {  	v8 =	vld.idx.msk [tilespmem:v0+s20+$0xFFFFFFC0 ss:$0x1], $0xffff;
	[tilespmem:s21+$0xFFFFFFE0] =	vst v4  }
0x34: {  	v5 =	vld.idx.msk [tilespmem:v0+s20+$0xFFFFFFD0 ss:$0x1], $0xffff;
	[tilespmem:s21+$0xFFFFFFF0] =	vst v3  }
.Ltmp3:
0x35: {  	v4 =	vld.idx.msk [tilespmem:v0+s20+$0xFFFFFFE0 ss:$0x1], $0xffff;
	[tilespmem:s21+$0x0] =	vst v1;
	(pc) =	sbr.rel @p0 .LBB1_4-.Ltmp3, $4  }
0x36: {  	v3 =	vld.idx.msk [tilespmem:v0+s20+$0xFFFFFFF0 ss:$0x1], $0xffff;
	[tilespmem:s21+$0x10] =	vst v2  }
0x37: {  	v1 =	vld.idx.msk [tilespmem:v0+s20+$0x0 ss:$0x1], $0xffff;
	[tilespmem:s21+$0x20] =	vst v6;
	s21 =	sadd.s32 $0x1000, s21  }
0x38: {  	v2 =	vld.idx.msk [tilespmem:v0+s20+$0x10 ss:$0x1], $0xffff;
	[tilespmem:s21+$0x30] =	vst v7  }
0x39: {  	[tilespmem:s21+$0xFFFFFFC0] =	vst v8;
	v6 =	vld.idx.msk [tilespmem:v0+s20+$0x20 ss:$0x1], $0xffff;
	s20 =	sshra.s32 s22, $0x2;
	s22 =	sadd.s32 $0x200, s22  }
0x3a: {  	_ =	sdelay $0x2  }
0x3b: {  	[tilespmem:s21+$0xFFFFFFD0] =	vst v5  }
0x3c: {  	v56 =	vld.idx.msk [tilespmem:v0+s20+$0x30 ss:$0x1], $0xffff;
	[tilespmem:s21+$0xFFFFFFE0] =	vst v4  }
0x3d: {  	v57 =	vld.idx.msk [tilespmem:v0+s20+$0xFFFFFFC0 ss:$0x1], $0xffff;
	[tilespmem:s21+$0xFFFFFFF0] =	vst v3  }
0x3e: {  	v58 =	vld.idx.msk [tilespmem:v0+s20+$0xFFFFFFD0 ss:$0x1], $0xffff;
	[tilespmem:s21+$0x0] =	vst v1  }
0x3f: {  	v59 =	vld.idx.msk [tilespmem:v0+s20+$0xFFFFFFE0 ss:$0x1], $0xffff;
	[tilespmem:s21+$0x10] =	vst v2  }
0x40: {  	v60 =	vld.idx.msk [tilespmem:v0+s20+$0xFFFFFFF0 ss:$0x1], $0xffff;
	s31 =	sadd.s32 $0x1000, s21;
	[tilespmem:s21+$0x20] =	vst v6  }
0x41: {  	v61 =	vld.idx.msk [tilespmem:v0+s20+$0x0 ss:$0x1], $0xffff;
	[tilespmem:s31+$0x30] =	vst v56  }
0x42: {  	v62 =	vld.idx.msk [tilespmem:v0+s20+$0x10 ss:$0x1], $0xffff;
	s19 =	sadd.s32 $0x1, s19;
	[tilespmem:s31+$0xFFFFFFC0] =	vst v57  }
0x43: {  	v63 =	vld.idx.msk [tilespmem:v0+s20+$0x20 ss:$0x1], $0xffff;
	p0 =	sne.s32 s19, $0x20;
	[tilespmem:s31+$0xFFFFFFD0] =	vst v58  }
.Ltmp4:
0x44: {  	[tilespmem:s31+$0xFFFFFFE0] =	vst v59;
	(pc) =	sbr.rel @p0 .LBB1_3-.Ltmp4, $4  }
0x45: {  	[tilespmem:s31+$0xFFFFFFF0] =	vst v60  }
0x46: {  	[tilespmem:s31+$0x0] =	vst v61  }
0x47: {  	[tilespmem:s31+$0x10] =	vst v62  }
0x48: {  	s16 =	sadd.s32 $0x80, s16;
	s18 =	sadd.s32 $0x200, s18;
	[tilespmem:s31+$0x20] =	vst v63  }
.Ltmp5:
0x49: {  	s15 =	sshll.u32 s15, $0x4;
	(pc) =	sbr.rel .LBB1_7-.Ltmp5, $4  }
0x4a: {  	s15 =	sand.u32 $0x3FFF0, s15  }
0x4b: {  	s14 =	sshll.u32 s14, $0x12;
	s15 =	sadd.s32 s3, s15  }
0x4c: {  	s14 =	sadd.s32 s14, s15  }
0x4d: {  	[hbm4b:s14+s8] =	stream.strided.scatter [tilespmem:s17], [sflag:$0x2], $0x4000, s9, s8, $0x38;
	[tilespmem:$0x10000] =	vst v63  }
.LBB1_8:
0x4e: {  	_ =	sfence.sel $0x180000  }
0x4f: {  	s2 =	simm.s32 $0x1;
	[bflag:$0x0] =	sbarrier.arrive $0xFFFF  }
0x50: {  	s31 =	simm.s32 $0x2;
	[sflag:s2] =	ssyncpa.u1 $0x1  }
0x51: {  	[sflag:s31] =	ssyncpa.u1 $0x1  }
0x52: {  	p0 =	sne.s32 s0, $0x0;
	_ =	strace $0x9000004A  }
0x53: {  	s0 =	sadd.s32 @!p0 $0x100000, s1;
	[bflag:$0x2] =	sbarrier.arrive $0xFFFF  }
0x54: {  	[sflag:s0] =	ssyncadd.tile.s32 @!p0 $0x1;
	_ =	shalt  }
.Lfunc_end1:
_tile_overlayer_lowered:
.L_overlay_start_2:
0x55: {  	(tag) =	ssettag $0x2  }
0x56: {  	s0 =	rddreg [dreg:$0x0];
	s2 =	stileid.u32  }
0x57: {  	s1 =	rddreg [dreg:$0x1];
	p0 =	sne.s32 s2, $0x0  }
0x58: {  	s3 =	rddreg [dreg:$0x2];
	[bflag:$0x3] =	sbarrier.arrive $0xFFFF;
	s2 =	simm.s32 @!p0 $0x1C01  }
0x59: {  	[timem:s3], [sflag:s2] =	dma.local @!p0 [hbm:s0], s1  }
0x5a: {  	s0 =	simm.s32 @!p0 $0x1  }
0x5b: {  	_ =	swait.ge @!p0 [sflag:s0], s1  }
0x5c: {  	s1 =	ssub.s32 @!p0 $0x0, s1;
	[sflag:s0] =	ssyncset.done @!p0 $0x0  }
0x5d: {  	[sflag:s0] =	ssyncadd.s32 @!p0 s1  }
0x5e: {  	[bflag:$0x3] =	sbarrier.arrive $0xFFFF  }
0x5f: {  	_ =	shalt  }

</sc_bundles>
